<compile_context>
chip_gen: v7x
topology: tpu7x:2x2x1
jax: 0.10.2.dev20260603
libtpu: 0.0.44.dev20260713+nightly
codegen_flags: <defaults>
</compile_context>

<pallas_src>
import functools

import jax
import jax.numpy as jnp
from jax import lax
from jax.experimental import pallas as pl
from jax.experimental.pallas import tpu as pltpu
from jax.experimental.pallas import tpu_sc as plsc

N = 1048576
K = 52428
NC = 2
NS = 16
NW = NC * NS
CHUNK = N // NW
GROUPS = CHUNK // 16
UNROLL = 2
B1 = 2048
B2 = 2048
B3 = 1024

_mesh = plsc.VectorSubcoreMesh(core_axis_name="c", subcore_axis_name="s")
_params = pltpu.CompilerParams(needs_layout_passes=False)


def _monokeys(x):
    b = lax.bitcast_convert_type(x, jnp.int32)
    m = lax.shift_right_arithmetic(b, jnp.full((16,), 31, jnp.int32))
    return b ^ (m | jnp.int32(-2147483648))


def _shr(v, amt):
    return lax.shift_right_logical(v, jnp.full((16,), amt, jnp.int32))


def _zero_ref(ref, nwords, dtype):
    z = jnp.zeros((16,), dtype)

    @plsc.parallel_loop(0, nwords // 16)
    def _(i):
        ref[pl.ds(i * 16, 16)] = z


def _wid():
    return lax.axis_index("s") * NC + lax.axis_index("c")


@functools.partial(
    pl.kernel,
    out_type=jax.ShapeDtypeStruct((NW, B1), jnp.int32),
    mesh=_mesh,
    compiler_params=_params,
    scratch_types=[
        pltpu.VMEM((CHUNK,), jnp.float32),
        pltpu.VMEM((B1,), jnp.int32),
        pltpu.VMEM((B1,), jnp.int32),
    ],
)
def _hist1(pnl_hbm, out_hbm, data_v, h0, h1):
    w = _wid()
    pltpu.sync_copy(pnl_hbm.at[pl.ds(w * CHUNK, CHUNK)], data_v)
    hs = (h0, h1)
    for h in hs:
        _zero_ref(h, B1, jnp.int32)
    ones = jnp.ones((16,), jnp.int32)

    @plsc.parallel_loop(0, GROUPS // UNROLL)
    def _(i):
        base = i * (16 * UNROLL)
        for u in range(UNROLL):
            x = data_v[pl.ds(base + u * 16, 16)]
            ku = _monokeys(x)
            bkt = _shr(ku, 21)
            plsc.addupdate_scatter(hs[u], [bkt], ones)

    @plsc.parallel_loop(0, B1 // 16)
    def _(i):
        s = pl.ds(i * 16, 16)
        h0[s] = h0[s] + h1[s]

    pltpu.sync_copy(h0, out_hbm.at[w])


@functools.partial(
    pl.kernel,
    out_type=jax.ShapeDtypeStruct((NW, B2), jnp.int32),
    mesh=_mesh,
    compiler_params=_params,
    scratch_types=[
        pltpu.VMEM((CHUNK,), jnp.float32),
        pltpu.VMEM((128,), jnp.int32),
        pltpu.VMEM((B2,), jnp.int32),
        pltpu.VMEM((B2,), jnp.int32),
    ],
)
def _hist2(pnl_hbm, pref_hbm, out_hbm, data_v, pref_v, h0, h1):
    w = _wid()
    pltpu.sync_copy(pnl_hbm.at[pl.ds(w * CHUNK, CHUNK)], data_v)
    pltpu.sync_copy(pref_hbm, pref_v)
    hs = (h0, h1)
    for h in hs:
        _zero_ref(h, B2, jnp.int32)
    ones = jnp.ones((16,), jnp.int32)
    p1 = pref_v[pl.ds(0, 16)]

    @plsc.parallel_loop(0, GROUPS // UNROLL)
    def _(i):
        base = i * (16 * UNROLL)
        for u in range(UNROLL):
            x = data_v[pl.ds(base + u * 16, 16)]
            ku = _monokeys(x)
            match = _shr(ku, 21) == p1
            bkt = _shr(ku, 10) & jnp.int32(B2 - 1)
            plsc.addupdate_scatter(hs[u], [bkt], ones, mask=match)

    @plsc.parallel_loop(0, B2 // 16)
    def _(i):
        s = pl.ds(i * 16, 16)
        h0[s] = h0[s] + h1[s]

    pltpu.sync_copy(h0, out_hbm.at[w])


@functools.partial(
    pl.kernel,
    out_type=(
        jax.ShapeDtypeStruct((NW, B3), jnp.int32),
        jax.ShapeDtypeStruct((NW, B3), jnp.float32),
        jax.ShapeDtypeStruct((NW, 128), jnp.float32),
    ),
    mesh=_mesh,
    compiler_params=_params,
    scratch_types=[
        pltpu.VMEM((CHUNK,), jnp.float32),
        pltpu.VMEM((128,), jnp.int32),
        pltpu.VMEM((B3,), jnp.int32),
        pltpu.VMEM((B3,), jnp.int32),
        pltpu.VMEM((B3,), jnp.float32),
        pltpu.VMEM((B3,), jnp.float32),
        pltpu.VMEM((128,), jnp.float32),
    ],
)
def _hist3(pnl_hbm, pref_hbm, cnt_hbm, sum_hbm, below_hbm,
           data_v, pref_v, c0, c1, s0, s1, below_v):
    w = _wid()
    pltpu.sync_copy(pnl_hbm.at[pl.ds(w * CHUNK, CHUNK)], data_v)
    pltpu.sync_copy(pref_hbm, pref_v)
    for h in (c0, c1):
        _zero_ref(h, B3, jnp.int32)
    for h in (s0, s1):
        _zero_ref(h, B3, jnp.float32)
    cs = (c0, c1)
    ss = (s0, s1)
    ones = jnp.ones((16,), jnp.int32)
    fz = jnp.zeros((16,), jnp.float32)
    p2 = pref_v[pl.ds(0, 16)]

    @functools.partial(plsc.parallel_loop(0, GROUPS // UNROLL, carry=fz))
    def acc(i, acc):
        base = i * (16 * UNROLL)
        parts = []
        for u in range(UNROLL):
            x = data_v[pl.ds(base + u * 16, 16)]
            ku = _monokeys(x)
            hi = _shr(ku, 10)
            match = hi == p2
            below = hi < p2
            bkt = ku & jnp.int32(B3 - 1)
            plsc.addupdate_scatter(cs[u % 2], [bkt], ones, mask=match)
            plsc.addupdate_scatter(ss[u % 2], [bkt], x, mask=match)
            parts.append(jnp.where(below, x, fz))
        t = parts[0] + parts[1]
        return acc + t

    @plsc.parallel_loop(0, B3 // 16)
    def _(i):
        s = pl.ds(i * 16, 16)
        c0[s] = c0[s] + c1[s]
        s0[s] = s0[s] + s1[s]
    pltpu.sync_copy(c0, cnt_hbm.at[w])
    pltpu.sync_copy(s0, sum_hbm.at[w])
    _zero_ref(below_v, 128, jnp.float32)
    below_v[pl.ds(0, 16)] = acc
    pltpu.sync_copy(below_v, below_hbm.at[w])


def _splat16(v):
    return jnp.full((128,), 1, jnp.int32) * v


def kernel(pnl):
    h1 = _hist1(pnl)
    c1 = jnp.sum(h1, axis=0)
    cum1 = jnp.cumsum(c1)
    sel1 = cum1 < K
    b1 = jnp.sum(sel1).astype(jnp.int32)
    cb1 = jnp.sum(jnp.where(sel1, c1, 0))
    k2 = K - cb1

    h2 = _hist2(pnl, _splat16(b1))
    c2 = jnp.sum(h2, axis=0)
    cum2 = jnp.cumsum(c2)
    sel2 = cum2 < k2
    b2 = jnp.sum(sel2).astype(jnp.int32)
    cb2 = jnp.sum(jnp.where(sel2, c2, 0))
    k3 = k2 - cb2

    p2 = (b1 << 11) | b2
    h3, s3, below = _hist3(pnl, _splat16(p2))
    c3 = jnp.sum(h3, axis=0)
    s3 = jnp.sum(s3, axis=0)
    cum3 = jnp.cumsum(c3)
    sel3 = cum3 < k3
    b3 = jnp.sum(sel3).astype(jnp.int32)
    cb3 = jnp.sum(jnp.where(sel3, c3, 0))
    in_bucket_sum = jnp.sum(jnp.where(sel3, s3, 0.0))

    key = ((b1.astype(jnp.uint32) << 21)
           | (b2.astype(jnp.uint32) << 10)
           | b3.astype(jnp.uint32))
    bits = jnp.where(key >= jnp.uint32(2147483648),
                     key ^ jnp.uint32(2147483648), ~key)
    t = lax.bitcast_convert_type(bits, jnp.float32)

    count_below = cb1 + cb2 + cb3
    sum_below = jnp.sum(below) + in_bucket_sum
    cvar = (sum_below + (K - count_below).astype(jnp.float32) * t) / K
    return -cvar

# --- scband reference (transcript-rebuilt; emitter-appended) ---
"""Pipeline reference for scband-cva-rloss-71339406787292 (READ-ONLY COPY).

The authoritative reference and input builder live on the scoring server;
editing this copy changes nothing except your own understanding.
"""

import jax, jax.numpy as jnp
import numpy as np

ALPHA = 0.05
N = 1048576

def setup_inputs(seed: int = 0) -> dict:
    key = jax.random.key(seed)
    pnl = jax.random.normal(key, (N,), dtype=jnp.float32)
    return {"pnl": pnl}

def reference(pnl):
    sorted_pnl = jnp.sort(pnl)
    n_tail = max(1, int(ALPHA * pnl.shape[0]))
    cvar = jnp.mean(sorted_pnl[:n_tail])
    return -cvar

if __name__ == "__main__":
    import jax
    _d = setup_inputs()
    print(jax.jit(kernel)(*tuple(_d.values())))

</pallas_src>

<mosaic_0001>
#map = affine_map<(d0, d1) -> (0)>
#map1 = affine_map<(d0, d1) -> (0, 0)>
module attributes {stable_mosaic.version = 14 : i64} {
  func.func @_hist1(%arg0: i32, %arg1: i32, %arg2: memref<1048576xf32, #tpu.memory_space<hbm>>, %arg3: memref<32x2048xi32, #tpu.memory_space<hbm>>, %arg4: memref<32768xf32, #tpu.memory_space<vmem>>, %arg5: memref<2048xi32, #tpu.memory_space<vmem>>, %arg6: memref<2048xi32, #tpu.memory_space<vmem>>) attributes {dimension_semantics = [#tpu.dimension_semantics<core_parallel>, #tpu.dimension_semantics<subcore_parallel>], iteration_bounds = array<i64: 2, 16>, scalar_prefetch = 0 : i64, scratch_operands = 3 : i64, tpu.core_type = #tpu.core_type<sc_vector_subcore>, window_params = [{transform_indices = #map}, {transform_indices = #map1}]} {
    %mul3A = arith.constant 2 : i32
    %mul3A_0 = arith.muli %arg1, %mul3A : i32
    %add3A = arith.addi %mul3A_0, %arg0 : i32
    %mul3A_1 = arith.constant 32768 : i32
    %mul3A_2 = arith.muli %add3A, %mul3A_1 : i32
    "tpu.region"() ({
      %run_scoped3A = tpu.sem_alloc : memref<!tpu.dma_semaphore, #tpu.memory_space<semaphore_mem>>
      %dma_start3A = tpu.memref_slice %arg2[%mul3A_2] : memref<1048576xf32, #tpu.memory_space<hbm>> -> memref<32768xf32, #tpu.memory_space<hbm>>
      %dma_start3A_19 = tpu.memref_slice %arg2[%mul3A_2] : memref<1048576xf32, #tpu.memory_space<hbm>> -> memref<32768xf32, #tpu.memory_space<hbm>>
      tpu.enqueue_dma source(%dma_start3A_19 : memref<32768xf32, #tpu.memory_space<hbm>>) target(%arg4 : memref<32768xf32, #tpu.memory_space<vmem>>) target_semaphore(%run_scoped3A : memref<!tpu.dma_semaphore, #tpu.memory_space<semaphore_mem>>)
      %dma_wait3A = tpu.memref_slice %arg2[%mul3A_2] : memref<1048576xf32, #tpu.memory_space<hbm>> -> memref<32768xf32, #tpu.memory_space<hbm>>
      %dma_wait3A_20 = tpu.memref_slice %arg2[%mul3A_2] : memref<1048576xf32, #tpu.memory_space<hbm>> -> memref<32768xf32, #tpu.memory_space<hbm>>
      tpu.wait_dma2 semaphore(%run_scoped3A : memref<!tpu.dma_semaphore, #tpu.memory_space<semaphore_mem>>) src(%dma_wait3A_20 : memref<32768xf32, #tpu.memory_space<hbm>>) dst(%arg4 : memref<32768xf32, #tpu.memory_space<vmem>>)
      tpu.yield
    }) : () -> ()
    %broadcast_in_dim3A = arith.constant 0 : i32
    %broadcast_in_dim3A_3 = vector.broadcast %broadcast_in_dim3A : i32 to vector<16xi32>
    %parallel_loop3A = arith.constant 0 : i32
    %parallel_loop3A_4 = arith.constant 128 : i32
    %parallel_loop3A_5 = arith.constant 1 : i32
    scf.for %parallel_loop3A_19 = %parallel_loop3A to %parallel_loop3A_4 step %parallel_loop3A_5  : i32 {
      %parallel_loop3A_20 = arith.constant 16 : i32
      %parallel_loop3A_21 = arith.muli %parallel_loop3A_19, %parallel_loop3A_20 : i32
      %parallel_loop3A_22 = arith.index_cast %parallel_loop3A_21 : i32 to index
      %parallel_loop3A_23 = tpu.vector_load %arg5[%parallel_loop3A_22] {strides = array<i32>} : memref<2048xi32, #tpu.memory_space<vmem>>, vector<16xi32>,
      tpu.vector_store %arg5[%parallel_loop3A_22], %broadcast_in_dim3A_3 {strides = array<i32>} : memref<2048xi32, #tpu.memory_space<vmem>>, vector<16xi32>,
    } {sc.loop_unroll_factor = 1 : i64, sc.parallel_access}
    %broadcast_in_dim3A_6 = arith.constant 0 : i32
    %broadcast_in_dim3A_7 = vector.broadcast %broadcast_in_dim3A_6 : i32 to vector<16xi32>
    %parallel_loop3A_8 = arith.constant 0 : i32
    %parallel_loop3A_9 = arith.constant 128 : i32
    %parallel_loop3A_10 = arith.constant 1 : i32
    scf.for %parallel_loop3A_19 = %parallel_loop3A_8 to %parallel_loop3A_9 step %parallel_loop3A_10  : i32 {
      %parallel_loop3A_20 = arith.constant 16 : i32
      %parallel_loop3A_21 = arith.muli %parallel_loop3A_19, %parallel_loop3A_20 : i32
      %parallel_loop3A_22 = arith.index_cast %parallel_loop3A_21 : i32 to index
      %parallel_loop3A_23 = tpu.vector_load %arg6[%parallel_loop3A_22] {strides = array<i32>} : memref<2048xi32, #tpu.memory_space<vmem>>, vector<16xi32>,
      tpu.vector_store %arg6[%parallel_loop3A_22], %broadcast_in_dim3A_7 {strides = array<i32>} : memref<2048xi32, #tpu.memory_space<vmem>>, vector<16xi32>,
    } {sc.loop_unroll_factor = 1 : i64, sc.parallel_access}
    %broadcast_in_dim3A_11 = arith.constant 1 : i32
    %broadcast_in_dim3A_12 = vector.broadcast %broadcast_in_dim3A_11 : i32 to vector<16xi32>
    %parallel_loop3A_13 = arith.constant 0 : i32
    %parallel_loop3A_14 = arith.constant 1024 : i32
    %parallel_loop3A_15 = arith.constant 1 : i32
    scf.for %parallel_loop3A_19 = %parallel_loop3A_13 to %parallel_loop3A_14 step %parallel_loop3A_15  : i32 {
      %parallel_loop3A_20 = arith.constant 32 : i32
      %parallel_loop3A_21 = arith.muli %parallel_loop3A_19, %parallel_loop3A_20 : i32
      %parallel_loop3A_22 = arith.constant 0 : i32
      %parallel_loop3A_23 = arith.addi %parallel_loop3A_21, %parallel_loop3A_22 : i32
      %parallel_loop3A_24 = arith.index_cast %parallel_loop3A_23 : i32 to index
      %parallel_loop3A_25 = tpu.vector_load %arg4[%parallel_loop3A_24] {strides = array<i32>} : memref<32768xf32, #tpu.memory_space<vmem>>, vector<16xf32>,
      %parallel_loop3A_26 = tpu.bitcast %parallel_loop3A_25 : vector<16xf32> -> vector<16xi32>
      %parallel_loop3A_27 = arith.constant 31 : i32
      %parallel_loop3A_28 = vector.broadcast %parallel_loop3A_27 : i32 to vector<16xi32>
      %parallel_loop3A_29 = arith.shrsi %parallel_loop3A_26, %parallel_loop3A_28 : vector<16xi32>
      %parallel_loop3A_30 = arith.constant -2147483648 : i32
      %parallel_loop3A_31 = vector.broadcast %parallel_loop3A_30 : i32 to vector<16xi32>
      %parallel_loop3A_32 = arith.ori %parallel_loop3A_29, %parallel_loop3A_31 : vector<16xi32>
      %parallel_loop3A_33 = arith.xori %parallel_loop3A_26, %parallel_loop3A_32 : vector<16xi32>
      %parallel_loop3A_34 = arith.constant 21 : i32
      %parallel_loop3A_35 = vector.broadcast %parallel_loop3A_34 : i32 to vector<16xi32>
      %parallel_loop3A_36 = arith.shrui %parallel_loop3A_33, %parallel_loop3A_35 : vector<16xi32>
      tpu.vector_store_idx %arg5[%parallel_loop3A_36], %broadcast_in_dim3A_12 {add = true} : memref<2048xi32, #tpu.memory_space<vmem>>[vector<16xi32>], vector<16xi32>,
      %parallel_loop3A_37 = arith.constant 16 : i32
      %parallel_loop3A_38 = arith.addi %parallel_loop3A_21, %parallel_loop3A_37 : i32
      %parallel_loop3A_39 = arith.index_cast %parallel_loop3A_38 : i32 to index
      %parallel_loop3A_40 = tpu.vector_load %arg4[%parallel_loop3A_39] {strides = array<i32>} : memref<32768xf32, #tpu.memory_space<vmem>>, vector<16xf32>,
      %parallel_loop3A_41 = tpu.bitcast %parallel_loop3A_40 : vector<16xf32> -> vector<16xi32>
      %parallel_loop3A_42 = arith.constant 31 : i32
      %parallel_loop3A_43 = vector.broadcast %parallel_loop3A_42 : i32 to vector<16xi32>
      %parallel_loop3A_44 = arith.shrsi %parallel_loop3A_41, %parallel_loop3A_43 : vector<16xi32>
      %parallel_loop3A_45 = arith.constant -2147483648 : i32
      %parallel_loop3A_46 = vector.broadcast %parallel_loop3A_45 : i32 to vector<16xi32>
      %parallel_loop3A_47 = arith.ori %parallel_loop3A_44, %parallel_loop3A_46 : vector<16xi32>
      %parallel_loop3A_48 = arith.xori %parallel_loop3A_41, %parallel_loop3A_47 : vector<16xi32>
      %parallel_loop3A_49 = arith.constant 21 : i32
      %parallel_loop3A_50 = vector.broadcast %parallel_loop3A_49 : i32 to vector<16xi32>
      %parallel_loop3A_51 = arith.shrui %parallel_loop3A_48, %parallel_loop3A_50 : vector<16xi32>
      tpu.vector_store_idx %arg6[%parallel_loop3A_51], %broadcast_in_dim3A_12 {add = true} : memref<2048xi32, #tpu.memory_space<vmem>>[vector<16xi32>], vector<16xi32>,
    } {sc.loop_unroll_factor = 1 : i64, sc.parallel_access}
    %parallel_loop3A_16 = arith.constant 0 : i32
    %parallel_loop3A_17 = arith.constant 128 : i32
    %parallel_loop3A_18 = arith.constant 1 : i32
    scf.for %parallel_loop3A_19 = %parallel_loop3A_16 to %parallel_loop3A_17 step %parallel_loop3A_18  : i32 {
      %parallel_loop3A_20 = arith.constant 16 : i32
      %parallel_loop3A_21 = arith.muli %parallel_loop3A_19, %parallel_loop3A_20 : i32
      %parallel_loop3A_22 = arith.index_cast %parallel_loop3A_21 : i32 to index
      %parallel_loop3A_23 = tpu.vector_load %arg5[%parallel_loop3A_22] {strides = array<i32>} : memref<2048xi32, #tpu.memory_space<vmem>>, vector<16xi32>,
      %parallel_loop3A_24 = arith.index_cast %parallel_loop3A_21 : i32 to index
      %parallel_loop3A_25 = tpu.vector_load %arg6[%parallel_loop3A_24] {strides = array<i32>} : memref<2048xi32, #tpu.memory_space<vmem>>, vector<16xi32>,
      %parallel_loop3A_26 = arith.addi %parallel_loop3A_23, %parallel_loop3A_25 : vector<16xi32>
      %parallel_loop3A_27 = arith.index_cast %parallel_loop3A_21 : i32 to index
      %parallel_loop3A_28 = tpu.vector_load %arg5[%parallel_loop3A_27] {strides = array<i32>} : memref<2048xi32, #tpu.memory_space<vmem>>, vector<16xi32>,
      tpu.vector_store %arg5[%parallel_loop3A_27], %parallel_loop3A_26 {strides = array<i32>} : memref<2048xi32, #tpu.memory_space<vmem>>, vector<16xi32>,
    } {sc.loop_unroll_factor = 1 : i64, sc.parallel_access}
    "tpu.region"() ({
      %run_scoped3A = tpu.sem_alloc : memref<!tpu.dma_semaphore, #tpu.memory_space<semaphore_mem>>
      %dma_start3A = arith.constant 0 : i32
      %dma_start3A_19 = tpu.memref_slice %arg3[%add3A, %dma_start3A] : memref<32x2048xi32, #tpu.memory_space<hbm>> -> memref<1x2048xi32, #tpu.memory_space<hbm>>
      %dma_start3A_20 = tpu.memref_squeeze %dma_start3A_19 : memref<1x2048xi32, #tpu.memory_space<hbm>> -> memref<2048xi32, #tpu.memory_space<hbm>>
      %dma_start3A_21 = arith.constant 0 : i32
      %dma_start3A_22 = tpu.memref_slice %arg3[%add3A, %dma_start3A_21] : memref<32x2048xi32, #tpu.memory_space<hbm>> -> memref<1x2048xi32, #tpu.memory_space<hbm>>
      %dma_start3A_23 = tpu.memref_squeeze %dma_start3A_22 : memref<1x2048xi32, #tpu.memory_space<hbm>> -> memref<2048xi32, #tpu.memory_space<hbm>>
      tpu.enqueue_dma source(%arg5 : memref<2048xi32, #tpu.memory_space<vmem>>) target(%dma_start3A_23 : memref<2048xi32, #tpu.memory_space<hbm>>) target_semaphore(%run_scoped3A : memref<!tpu.dma_semaphore, #tpu.memory_space<semaphore_mem>>)
      %dma_wait3A = arith.constant 0 : i32
      %dma_wait3A_24 = tpu.memref_slice %arg3[%add3A, %dma_wait3A] : memref<32x2048xi32, #tpu.memory_space<hbm>> -> memref<1x2048xi32, #tpu.memory_space<hbm>>
      %dma_wait3A_25 = tpu.memref_squeeze %dma_wait3A_24 : memref<1x2048xi32, #tpu.memory_space<hbm>> -> memref<2048xi32, #tpu.memory_space<hbm>>
      %dma_wait3A_26 = arith.constant 0 : i32
      %dma_wait3A_27 = tpu.memref_slice %arg3[%add3A, %dma_wait3A_26] : memref<32x2048xi32, #tpu.memory_space<hbm>> -> memref<1x2048xi32, #tpu.memory_space<hbm>>
      %dma_wait3A_28 = tpu.memref_squeeze %dma_wait3A_27 : memref<1x2048xi32, #tpu.memory_space<hbm>> -> memref<2048xi32, #tpu.memory_space<hbm>>
      tpu.wait_dma2 semaphore(%run_scoped3A : memref<!tpu.dma_semaphore, #tpu.memory_space<semaphore_mem>>) src(%arg5 : memref<2048xi32, #tpu.memory_space<vmem>>) dst(%dma_wait3A_28 : memref<2048xi32, #tpu.memory_space<hbm>>)
      tpu.yield
    }) : () -> ()
    return
  }
}

#map = affine_map<(d0, d1) -> (0)>
#map1 = affine_map<(d0, d1) -> (0, 0)>
module attributes {stable_mosaic.version = 14 : i64} {
  func.func @_hist2(%arg0: i32, %arg1: i32, %arg2: memref<1048576xf32, #tpu.memory_space<hbm>>, %arg3: memref<128xi32, #tpu.memory_space<hbm>>, %arg4: memref<32x2048xi32, #tpu.memory_space<hbm>>, %arg5: memref<32768xf32, #tpu.memory_space<vmem>>, %arg6: memref<128xi32, #tpu.memory_space<vmem>>, %arg7: memref<2048xi32, #tpu.memory_space<vmem>>, %arg8: memref<2048xi32, #tpu.memory_space<vmem>>) attributes {dimension_semantics = [#tpu.dimension_semantics<core_parallel>, #tpu.dimension_semantics<subcore_parallel>], iteration_bounds = array<i64: 2, 16>, scalar_prefetch = 0 : i64, scratch_operands = 4 : i64, tpu.core_type = #tpu.core_type<sc_vector_subcore>, window_params = [{transform_indices = #map}, {transform_indices = #map}, {transform_indices = #map1}]} {
    %mul3A = arith.constant 2 : i32
    %mul3A_0 = arith.muli %arg1, %mul3A : i32
    %add3A = arith.addi %mul3A_0, %arg0 : i32
    %mul3A_1 = arith.constant 32768 : i32
    %mul3A_2 = arith.muli %add3A, %mul3A_1 : i32
    "tpu.region"() ({
      %run_scoped3A = tpu.sem_alloc : memref<!tpu.dma_semaphore, #tpu.memory_space<semaphore_mem>>
      %dma_start3A = tpu.memref_slice %arg2[%mul3A_2] : memref<1048576xf32, #tpu.memory_space<hbm>> -> memref<32768xf32, #tpu.memory_space<hbm>>
      %dma_start3A_20 = tpu.memref_slice %arg2[%mul3A_2] : memref<1048576xf32, #tpu.memory_space<hbm>> -> memref<32768xf32, #tpu.memory_space<hbm>>
      tpu.enqueue_dma source(%dma_start3A_20 : memref<32768xf32, #tpu.memory_space<hbm>>) target(%arg5 : memref<32768xf32, #tpu.memory_space<vmem>>) target_semaphore(%run_scoped3A : memref<!tpu.dma_semaphore, #tpu.memory_space<semaphore_mem>>)
      %dma_wait3A = tpu.memref_slice %arg2[%mul3A_2] : memref<1048576xf32, #tpu.memory_space<hbm>> -> memref<32768xf32, #tpu.memory_space<hbm>>
      %dma_wait3A_21 = tpu.memref_slice %arg2[%mul3A_2] : memref<1048576xf32, #tpu.memory_space<hbm>> -> memref<32768xf32, #tpu.memory_space<hbm>>
      tpu.wait_dma2 semaphore(%run_scoped3A : memref<!tpu.dma_semaphore, #tpu.memory_space<semaphore_mem>>) src(%dma_wait3A_21 : memref<32768xf32, #tpu.memory_space<hbm>>) dst(%arg5 : memref<32768xf32, #tpu.memory_space<vmem>>)
      tpu.yield
    }) : () -> ()
    "tpu.region"() ({
      %run_scoped3A = tpu.sem_alloc : memref<!tpu.dma_semaphore, #tpu.memory_space<semaphore_mem>>
      tpu.enqueue_dma source(%arg3 : memref<128xi32, #tpu.memory_space<hbm>>) target(%arg6 : memref<128xi32, #tpu.memory_space<vmem>>) target_semaphore(%run_scoped3A : memref<!tpu.dma_semaphore, #tpu.memory_space<semaphore_mem>>)
      tpu.wait_dma2 semaphore(%run_scoped3A : memref<!tpu.dma_semaphore, #tpu.memory_space<semaphore_mem>>) src(%arg3 : memref<128xi32, #tpu.memory_space<hbm>>) dst(%arg6 : memref<128xi32, #tpu.memory_space<vmem>>)
      tpu.yield
    }) : () -> ()
    %broadcast_in_dim3A = arith.constant 0 : i32
    %broadcast_in_dim3A_3 = vector.broadcast %broadcast_in_dim3A : i32 to vector<16xi32>
    %parallel_loop3A = arith.constant 0 : i32
    %parallel_loop3A_4 = arith.constant 128 : i32
    %parallel_loop3A_5 = arith.constant 1 : i32
    scf.for %parallel_loop3A_20 = %parallel_loop3A to %parallel_loop3A_4 step %parallel_loop3A_5  : i32 {
      %parallel_loop3A_21 = arith.constant 16 : i32
      %parallel_loop3A_22 = arith.muli %parallel_loop3A_20, %parallel_loop3A_21 : i32
      %parallel_loop3A_23 = arith.index_cast %parallel_loop3A_22 : i32 to index
      %parallel_loop3A_24 = tpu.vector_load %arg7[%parallel_loop3A_23] {strides = array<i32>} : memref<2048xi32, #tpu.memory_space<vmem>>, vector<16xi32>,
      tpu.vector_store %arg7[%parallel_loop3A_23], %broadcast_in_dim3A_3 {strides = array<i32>} : memref<2048xi32, #tpu.memory_space<vmem>>, vector<16xi32>,
    } {sc.loop_unroll_factor = 1 : i64, sc.parallel_access}
    %broadcast_in_dim3A_6 = arith.constant 0 : i32
    %broadcast_in_dim3A_7 = vector.broadcast %broadcast_in_dim3A_6 : i32 to vector<16xi32>
    %parallel_loop3A_8 = arith.constant 0 : i32
    %parallel_loop3A_9 = arith.constant 128 : i32
    %parallel_loop3A_10 = arith.constant 1 : i32
    scf.for %parallel_loop3A_20 = %parallel_loop3A_8 to %parallel_loop3A_9 step %parallel_loop3A_10  : i32 {
      %parallel_loop3A_21 = arith.constant 16 : i32
      %parallel_loop3A_22 = arith.muli %parallel_loop3A_20, %parallel_loop3A_21 : i32
      %parallel_loop3A_23 = arith.index_cast %parallel_loop3A_22 : i32 to index
      %parallel_loop3A_24 = tpu.vector_load %arg8[%parallel_loop3A_23] {strides = array<i32>} : memref<2048xi32, #tpu.memory_space<vmem>>, vector<16xi32>,
      tpu.vector_store %arg8[%parallel_loop3A_23], %broadcast_in_dim3A_7 {strides = array<i32>} : memref<2048xi32, #tpu.memory_space<vmem>>, vector<16xi32>,
    } {sc.loop_unroll_factor = 1 : i64, sc.parallel_access}
    %broadcast_in_dim3A_11 = arith.constant 1 : i32
    %broadcast_in_dim3A_12 = vector.broadcast %broadcast_in_dim3A_11 : i32 to vector<16xi32>
    %get3A = arith.constant 0 : index
    %get3A_13 = tpu.vector_load %arg6[%get3A] {strides = array<i32>} : memref<128xi32, #tpu.memory_space<vmem>>, vector<16xi32>,
    %parallel_loop3A_14 = arith.constant 0 : i32
    %parallel_loop3A_15 = arith.constant 1024 : i32
    %parallel_loop3A_16 = arith.constant 1 : i32
    scf.for %parallel_loop3A_20 = %parallel_loop3A_14 to %parallel_loop3A_15 step %parallel_loop3A_16  : i32 {
      %parallel_loop3A_21 = arith.constant 32 : i32
      %parallel_loop3A_22 = arith.muli %parallel_loop3A_20, %parallel_loop3A_21 : i32
      %parallel_loop3A_23 = arith.constant 0 : i32
      %parallel_loop3A_24 = arith.addi %parallel_loop3A_22, %parallel_loop3A_23 : i32
      %parallel_loop3A_25 = arith.index_cast %parallel_loop3A_24 : i32 to index
      %parallel_loop3A_26 = tpu.vector_load %arg5[%parallel_loop3A_25] {strides = array<i32>} : memref<32768xf32, #tpu.memory_space<vmem>>, vector<16xf32>,
      %parallel_loop3A_27 = tpu.bitcast %parallel_loop3A_26 : vector<16xf32> -> vector<16xi32>
      %parallel_loop3A_28 = arith.constant 31 : i32
      %parallel_loop3A_29 = vector.broadcast %parallel_loop3A_28 : i32 to vector<16xi32>
      %parallel_loop3A_30 = arith.shrsi %parallel_loop3A_27, %parallel_loop3A_29 : vector<16xi32>
      %parallel_loop3A_31 = arith.constant -2147483648 : i32
      %parallel_loop3A_32 = vector.broadcast %parallel_loop3A_31 : i32 to vector<16xi32>
      %parallel_loop3A_33 = arith.ori %parallel_loop3A_30, %parallel_loop3A_32 : vector<16xi32>
      %parallel_loop3A_34 = arith.xori %parallel_loop3A_27, %parallel_loop3A_33 : vector<16xi32>
      %parallel_loop3A_35 = arith.constant 21 : i32
      %parallel_loop3A_36 = vector.broadcast %parallel_loop3A_35 : i32 to vector<16xi32>
      %parallel_loop3A_37 = arith.shrui %parallel_loop3A_34, %parallel_loop3A_36 : vector<16xi32>
      %parallel_loop3A_38 = arith.cmpi eq, %parallel_loop3A_37, %get3A_13 : vector<16xi32>
      %parallel_loop3A_39 = arith.constant 10 : i32
      %parallel_loop3A_40 = vector.broadcast %parallel_loop3A_39 : i32 to vector<16xi32>
      %parallel_loop3A_41 = arith.shrui %parallel_loop3A_34, %parallel_loop3A_40 : vector<16xi32>
      %parallel_loop3A_42 = arith.constant 2047 : i32
      %parallel_loop3A_43 = vector.broadcast %parallel_loop3A_42 : i32 to vector<16xi32>
      %parallel_loop3A_44 = arith.andi %parallel_loop3A_41, %parallel_loop3A_43 : vector<16xi32>
      tpu.vector_store_idx %arg7[%parallel_loop3A_44], %broadcast_in_dim3A_12 masked %parallel_loop3A_38 {add = true} : memref<2048xi32, #tpu.memory_space<vmem>>[vector<16xi32>], vector<16xi32>, vector<16xi1>
      %parallel_loop3A_45 = arith.constant 16 : i32
      %parallel_loop3A_46 = arith.addi %parallel_loop3A_22, %parallel_loop3A_45 : i32
      %parallel_loop3A_47 = arith.index_cast %parallel_loop3A_46 : i32 to index
      %parallel_loop3A_48 = tpu.vector_load %arg5[%parallel_loop3A_47] {strides = array<i32>} : memref<32768xf32, #tpu.memory_space<vmem>>, vector<16xf32>,
      %parallel_loop3A_49 = tpu.bitcast %parallel_loop3A_48 : vector<16xf32> -> vector<16xi32>
      %parallel_loop3A_50 = arith.constant 31 : i32
      %parallel_loop3A_51 = vector.broadcast %parallel_loop3A_50 : i32 to vector<16xi32>
      %parallel_loop3A_52 = arith.shrsi %parallel_loop3A_49, %parallel_loop3A_51 : vector<16xi32>
      %parallel_loop3A_53 = arith.constant -2147483648 : i32
      %parallel_loop3A_54 = vector.broadcast %parallel_loop3A_53 : i32 to vector<16xi32>
      %parallel_loop3A_55 = arith.ori %parallel_loop3A_52, %parallel_loop3A_54 : vector<16xi32>
      %parallel_loop3A_56 = arith.xori %parallel_loop3A_49, %parallel_loop3A_55 : vector<16xi32>
      %parallel_loop3A_57 = arith.constant 21 : i32
      %parallel_loop3A_58 = vector.broadcast %parallel_loop3A_57 : i32 to vector<16xi32>
      %parallel_loop3A_59 = arith.shrui %parallel_loop3A_56, %parallel_loop3A_58 : vector<16xi32>
      %parallel_loop3A_60 = arith.cmpi eq, %parallel_loop3A_59, %get3A_13 : vector<16xi32>
      %parallel_loop3A_61 = arith.constant 10 : i32
      %parallel_loop3A_62 = vector.broadcast %parallel_loop3A_61 : i32 to vector<16xi32>
      %parallel_loop3A_63 = arith.shrui %parallel_loop3A_56, %parallel_loop3A_62 : vector<16xi32>
      %parallel_loop3A_64 = arith.constant 2047 : i32
      %parallel_loop3A_65 = vector.broadcast %parallel_loop3A_64 : i32 to vector<16xi32>
      %parallel_loop3A_66 = arith.andi %parallel_loop3A_63, %parallel_loop3A_65 : vector<16xi32>
      tpu.vector_store_idx %arg8[%parallel_loop3A_66], %broadcast_in_dim3A_12 masked %parallel_loop3A_60 {add = true} : memref<2048xi32, #tpu.memory_space<vmem>>[vector<16xi32>], vector<16xi32>, vector<16xi1>
    } {sc.loop_unroll_factor = 1 : i64, sc.parallel_access}
    %parallel_loop3A_17 = arith.constant 0 : i32
    %parallel_loop3A_18 = arith.constant 128 : i32
    %parallel_loop3A_19 = arith.constant 1 : i32
    scf.for %parallel_loop3A_20 = %parallel_loop3A_17 to %parallel_loop3A_18 step %parallel_loop3A_19  : i32 {
      %parallel_loop3A_21 = arith.constant 16 : i32
      %parallel_loop3A_22 = arith.muli %parallel_loop3A_20, %parallel_loop3A_21 : i32
      %parallel_loop3A_23 = arith.index_cast %parallel_loop3A_22 : i32 to index
      %parallel_loop3A_24 = tpu.vector_load %arg7[%parallel_loop3A_23] {strides = array<i32>} : memref<2048xi32, #tpu.memory_space<vmem>>, vector<16xi32>,
      %parallel_loop3A_25 = arith.index_cast %parallel_loop3A_22 : i32 to index
      %parallel_loop3A_26 = tpu.vector_load %arg8[%parallel_loop3A_25] {strides = array<i32>} : memref<2048xi32, #tpu.memory_space<vmem>>, vector<16xi32>,
      %parallel_loop3A_27 = arith.addi %parallel_loop3A_24, %parallel_loop3A_26 : vector<16xi32>
      %parallel_loop3A_28 = arith.index_cast %parallel_loop3A_22 : i32 to index
      %parallel_loop3A_29 = tpu.vector_load %arg7[%parallel_loop3A_28] {strides = array<i32>} : memref<2048xi32, #tpu.memory_space<vmem>>, vector<16xi32>,
      tpu.vector_store %arg7[%parallel_loop3A_28], %parallel_loop3A_27 {strides = array<i32>} : memref<2048xi32, #tpu.memory_space<vmem>>, vector<16xi32>,
    } {sc.loop_unroll_factor = 1 : i64, sc.parallel_access}
    "tpu.region"() ({
      %run_scoped3A = tpu.sem_alloc : memref<!tpu.dma_semaphore, #tpu.memory_space<semaphore_mem>>
      %dma_start3A = arith.constant 0 : i32
      %dma_start3A_20 = tpu.memref_slice %arg4[%add3A, %dma_start3A] : memref<32x2048xi32, #tpu.memory_space<hbm>> -> memref<1x2048xi32, #tpu.memory_space<hbm>>
      %dma_start3A_21 = tpu.memref_squeeze %dma_start3A_20 : memref<1x2048xi32, #tpu.memory_space<hbm>> -> memref<2048xi32, #tpu.memory_space<hbm>>
      %dma_start3A_22 = arith.constant 0 : i32
      %dma_start3A_23 = tpu.memref_slice %arg4[%add3A, %dma_start3A_22] : memref<32x2048xi32, #tpu.memory_space<hbm>> -> memref<1x2048xi32, #tpu.memory_space<hbm>>
      %dma_start3A_24 = tpu.memref_squeeze %dma_start3A_23 : memref<1x2048xi32, #tpu.memory_space<hbm>> -> memref<2048xi32, #tpu.memory_space<hbm>>
      tpu.enqueue_dma source(%arg7 : memref<2048xi32, #tpu.memory_space<vmem>>) target(%dma_start3A_24 : memref<2048xi32, #tpu.memory_space<hbm>>) target_semaphore(%run_scoped3A : memref<!tpu.dma_semaphore, #tpu.memory_space<semaphore_mem>>)
      %dma_wait3A = arith.constant 0 : i32
      %dma_wait3A_25 = tpu.memref_slice %arg4[%add3A, %dma_wait3A] : memref<32x2048xi32, #tpu.memory_space<hbm>> -> memref<1x2048xi32, #tpu.memory_space<hbm>>
      %dma_wait3A_26 = tpu.memref_squeeze %dma_wait3A_25 : memref<1x2048xi32, #tpu.memory_space<hbm>> -> memref<2048xi32, #tpu.memory_space<hbm>>
      %dma_wait3A_27 = arith.constant 0 : i32
      %dma_wait3A_28 = tpu.memref_slice %arg4[%add3A, %dma_wait3A_27] : memref<32x2048xi32, #tpu.memory_space<hbm>> -> memref<1x2048xi32, #tpu.memory_space<hbm>>
      %dma_wait3A_29 = tpu.memref_squeeze %dma_wait3A_28 : memref<1x2048xi32, #tpu.memory_space<hbm>> -> memref<2048xi32, #tpu.memory_space<hbm>>
      tpu.wait_dma2 semaphore(%run_scoped3A : memref<!tpu.dma_semaphore, #tpu.memory_space<semaphore_mem>>) src(%arg7 : memref<2048xi32, #tpu.memory_space<vmem>>) dst(%dma_wait3A_29 : memref<2048xi32, #tpu.memory_space<hbm>>)
      tpu.yield
    }) : () -> ()
    return
  }
}

#map = affine_map<(d0, d1) -> (0)>
#map1 = affine_map<(d0, d1) -> (0, 0)>
module attributes {stable_mosaic.version = 14 : i64} {
  func.func @_hist3(%arg0: i32, %arg1: i32, %arg2: memref<1048576xf32, #tpu.memory_space<hbm>>, %arg3: memref<128xi32, #tpu.memory_space<hbm>>, %arg4: memref<32x1024xi32, #tpu.memory_space<hbm>>, %arg5: memref<32x1024xf32, #tpu.memory_space<hbm>>, %arg6: memref<32x128xf32, #tpu.memory_space<hbm>>, %arg7: memref<32768xf32, #tpu.memory_space<vmem>>, %arg8: memref<128xi32, #tpu.memory_space<vmem>>, %arg9: memref<1024xi32, #tpu.memory_space<vmem>>, %arg10: memref<1024xi32, #tpu.memory_space<vmem>>, %arg11: memref<1024xf32, #tpu.memory_space<vmem>>, %arg12: memref<1024xf32, #tpu.memory_space<vmem>>, %arg13: memref<128xf32, #tpu.memory_space<vmem>>) attributes {dimension_semantics = [#tpu.dimension_semantics<core_parallel>, #tpu.dimension_semantics<subcore_parallel>], iteration_bounds = array<i64: 2, 16>, scalar_prefetch = 0 : i64, scratch_operands = 7 : i64, tpu.core_type = #tpu.core_type<sc_vector_subcore>, window_params = [{transform_indices = #map}, {transform_indices = #map}, {transform_indices = #map1}, {transform_indices = #map1}, {transform_indices = #map1}]} {
    %mul3A = arith.constant 2 : i32
    %mul3A_0 = arith.muli %arg1, %mul3A : i32
    %add3A = arith.addi %mul3A_0, %arg0 : i32
    %mul3A_1 = arith.constant 32768 : i32
    %mul3A_2 = arith.muli %add3A, %mul3A_1 : i32
    "tpu.region"() ({
      %run_scoped3A = tpu.sem_alloc : memref<!tpu.dma_semaphore, #tpu.memory_space<semaphore_mem>>
      %dma_start3A = tpu.memref_slice %arg2[%mul3A_2] : memref<1048576xf32, #tpu.memory_space<hbm>> -> memref<32768xf32, #tpu.memory_space<hbm>>
      %dma_start3A_39 = tpu.memref_slice %arg2[%mul3A_2] : memref<1048576xf32, #tpu.memory_space<hbm>> -> memref<32768xf32, #tpu.memory_space<hbm>>
      tpu.enqueue_dma source(%dma_start3A_39 : memref<32768xf32, #tpu.memory_space<hbm>>) target(%arg7 : memref<32768xf32, #tpu.memory_space<vmem>>) target_semaphore(%run_scoped3A : memref<!tpu.dma_semaphore, #tpu.memory_space<semaphore_mem>>)
      %dma_wait3A = tpu.memref_slice %arg2[%mul3A_2] : memref<1048576xf32, #tpu.memory_space<hbm>> -> memref<32768xf32, #tpu.memory_space<hbm>>
      %dma_wait3A_40 = tpu.memref_slice %arg2[%mul3A_2] : memref<1048576xf32, #tpu.memory_space<hbm>> -> memref<32768xf32, #tpu.memory_space<hbm>>
      tpu.wait_dma2 semaphore(%run_scoped3A : memref<!tpu.dma_semaphore, #tpu.memory_space<semaphore_mem>>) src(%dma_wait3A_40 : memref<32768xf32, #tpu.memory_space<hbm>>) dst(%arg7 : memref<32768xf32, #tpu.memory_space<vmem>>)
      tpu.yield
    }) : () -> ()
    "tpu.region"() ({
      %run_scoped3A = tpu.sem_alloc : memref<!tpu.dma_semaphore, #tpu.memory_space<semaphore_mem>>
      tpu.enqueue_dma source(%arg3 : memref<128xi32, #tpu.memory_space<hbm>>) target(%arg8 : memref<128xi32, #tpu.memory_space<vmem>>) target_semaphore(%run_scoped3A : memref<!tpu.dma_semaphore, #tpu.memory_space<semaphore_mem>>)
      tpu.wait_dma2 semaphore(%run_scoped3A : memref<!tpu.dma_semaphore, #tpu.memory_space<semaphore_mem>>) src(%arg3 : memref<128xi32, #tpu.memory_space<hbm>>) dst(%arg8 : memref<128xi32, #tpu.memory_space<vmem>>)
      tpu.yield
    }) : () -> ()
    %broadcast_in_dim3A = arith.constant 0 : i32
    %broadcast_in_dim3A_3 = vector.broadcast %broadcast_in_dim3A : i32 to vector<16xi32>
    %parallel_loop3A = arith.constant 0 : i32
    %parallel_loop3A_4 = arith.constant 64 : i32
    %parallel_loop3A_5 = arith.constant 1 : i32
    scf.for %parallel_loop3A_39 = %parallel_loop3A to %parallel_loop3A_4 step %parallel_loop3A_5  : i32 {
      %parallel_loop3A_40 = arith.constant 16 : i32
      %parallel_loop3A_41 = arith.muli %parallel_loop3A_39, %parallel_loop3A_40 : i32
      %parallel_loop3A_42 = arith.index_cast %parallel_loop3A_41 : i32 to index
      %parallel_loop3A_43 = tpu.vector_load %arg9[%parallel_loop3A_42] {strides = array<i32>} : memref<1024xi32, #tpu.memory_space<vmem>>, vector<16xi32>,
      tpu.vector_store %arg9[%parallel_loop3A_42], %broadcast_in_dim3A_3 {strides = array<i32>} : memref<1024xi32, #tpu.memory_space<vmem>>, vector<16xi32>,
    } {sc.loop_unroll_factor = 1 : i64, sc.parallel_access}
    %broadcast_in_dim3A_6 = arith.constant 0 : i32
    %broadcast_in_dim3A_7 = vector.broadcast %broadcast_in_dim3A_6 : i32 to vector<16xi32>
    %parallel_loop3A_8 = arith.constant 0 : i32
    %parallel_loop3A_9 = arith.constant 64 : i32
    %parallel_loop3A_10 = arith.constant 1 : i32
    scf.for %parallel_loop3A_39 = %parallel_loop3A_8 to %parallel_loop3A_9 step %parallel_loop3A_10  : i32 {
      %parallel_loop3A_40 = arith.constant 16 : i32
      %parallel_loop3A_41 = arith.muli %parallel_loop3A_39, %parallel_loop3A_40 : i32
      %parallel_loop3A_42 = arith.index_cast %parallel_loop3A_41 : i32 to index
      %parallel_loop3A_43 = tpu.vector_load %arg10[%parallel_loop3A_42] {strides = array<i32>} : memref<1024xi32, #tpu.memory_space<vmem>>, vector<16xi32>,
      tpu.vector_store %arg10[%parallel_loop3A_42], %broadcast_in_dim3A_7 {strides = array<i32>} : memref<1024xi32, #tpu.memory_space<vmem>>, vector<16xi32>,
    } {sc.loop_unroll_factor = 1 : i64, sc.parallel_access}
    %broadcast_in_dim3A_11 = arith.constant 0.000000e+00 : f32
    %broadcast_in_dim3A_12 = vector.broadcast %broadcast_in_dim3A_11 : f32 to vector<16xf32>
    %parallel_loop3A_13 = arith.constant 0 : i32
    %parallel_loop3A_14 = arith.constant 64 : i32
    %parallel_loop3A_15 = arith.constant 1 : i32
    scf.for %parallel_loop3A_39 = %parallel_loop3A_13 to %parallel_loop3A_14 step %parallel_loop3A_15  : i32 {
      %parallel_loop3A_40 = arith.constant 16 : i32
      %parallel_loop3A_41 = arith.muli %parallel_loop3A_39, %parallel_loop3A_40 : i32
      %parallel_loop3A_42 = arith.index_cast %parallel_loop3A_41 : i32 to index
      %parallel_loop3A_43 = tpu.vector_load %arg11[%parallel_loop3A_42] {strides = array<i32>} : memref<1024xf32, #tpu.memory_space<vmem>>, vector<16xf32>,
      tpu.vector_store %arg11[%parallel_loop3A_42], %broadcast_in_dim3A_12 {strides = array<i32>} : memref<1024xf32, #tpu.memory_space<vmem>>, vector<16xf32>,
    } {sc.loop_unroll_factor = 1 : i64, sc.parallel_access}
    %broadcast_in_dim3A_16 = arith.constant 0.000000e+00 : f32
    %broadcast_in_dim3A_17 = vector.broadcast %broadcast_in_dim3A_16 : f32 to vector<16xf32>
    %parallel_loop3A_18 = arith.constant 0 : i32
    %parallel_loop3A_19 = arith.constant 64 : i32
    %parallel_loop3A_20 = arith.constant 1 : i32
    scf.for %parallel_loop3A_39 = %parallel_loop3A_18 to %parallel_loop3A_19 step %parallel_loop3A_20  : i32 {
      %parallel_loop3A_40 = arith.constant 16 : i32
      %parallel_loop3A_41 = arith.muli %parallel_loop3A_39, %parallel_loop3A_40 : i32
      %parallel_loop3A_42 = arith.index_cast %parallel_loop3A_41 : i32 to index
      %parallel_loop3A_43 = tpu.vector_load %arg12[%parallel_loop3A_42] {strides = array<i32>} : memref<1024xf32, #tpu.memory_space<vmem>>, vector<16xf32>,
      tpu.vector_store %arg12[%parallel_loop3A_42], %broadcast_in_dim3A_17 {strides = array<i32>} : memref<1024xf32, #tpu.memory_space<vmem>>, vector<16xf32>,
    } {sc.loop_unroll_factor = 1 : i64, sc.parallel_access}
    %broadcast_in_dim3A_21 = arith.constant 1 : i32
    %broadcast_in_dim3A_22 = vector.broadcast %broadcast_in_dim3A_21 : i32 to vector<16xi32>
    %broadcast_in_dim3A_23 = arith.constant 0.000000e+00 : f32
    %broadcast_in_dim3A_24 = vector.broadcast %broadcast_in_dim3A_23 : f32 to vector<16xf32>
    %get3A = arith.constant 0 : index
    %get3A_25 = tpu.vector_load %arg8[%get3A] {strides = array<i32>} : memref<128xi32, #tpu.memory_space<vmem>>, vector<16xi32>,
    %parallel_loop3A_26 = arith.constant 0 : i32
    %parallel_loop3A_27 = arith.constant 1024 : i32
    %parallel_loop3A_28 = arith.constant 1 : i32
    %parallel_loop3A_29 = scf.for %parallel_loop3A_39 = %parallel_loop3A_26 to %parallel_loop3A_27 step %parallel_loop3A_28 iter_args(%parallel_loop3A_40 = %broadcast_in_dim3A_24) -> (vector<16xf32>)  : i32 {
      %parallel_loop3A_41 = arith.constant 32 : i32
      %parallel_loop3A_42 = arith.muli %parallel_loop3A_39, %parallel_loop3A_41 : i32
      %parallel_loop3A_43 = arith.constant 0 : i32
      %parallel_loop3A_44 = arith.addi %parallel_loop3A_42, %parallel_loop3A_43 : i32
      %parallel_loop3A_45 = arith.index_cast %parallel_loop3A_44 : i32 to index
      %parallel_loop3A_46 = tpu.vector_load %arg7[%parallel_loop3A_45] {strides = array<i32>} : memref<32768xf32, #tpu.memory_space<vmem>>, vector<16xf32>,
      %parallel_loop3A_47 = tpu.bitcast %parallel_loop3A_46 : vector<16xf32> -> vector<16xi32>
      %parallel_loop3A_48 = arith.constant 31 : i32
      %parallel_loop3A_49 = vector.broadcast %parallel_loop3A_48 : i32 to vector<16xi32>
      %parallel_loop3A_50 = arith.shrsi %parallel_loop3A_47, %parallel_loop3A_49 : vector<16xi32>
      %parallel_loop3A_51 = arith.constant -2147483648 : i32
      %parallel_loop3A_52 = vector.broadcast %parallel_loop3A_51 : i32 to vector<16xi32>
      %parallel_loop3A_53 = arith.ori %parallel_loop3A_50, %parallel_loop3A_52 : vector<16xi32>
      %parallel_loop3A_54 = arith.xori %parallel_loop3A_47, %parallel_loop3A_53 : vector<16xi32>
      %parallel_loop3A_55 = arith.constant 10 : i32
      %parallel_loop3A_56 = vector.broadcast %parallel_loop3A_55 : i32 to vector<16xi32>
      %parallel_loop3A_57 = arith.shrui %parallel_loop3A_54, %parallel_loop3A_56 : vector<16xi32>
      %parallel_loop3A_58 = arith.cmpi eq, %parallel_loop3A_57, %get3A_25 : vector<16xi32>
      %parallel_loop3A_59 = arith.cmpi slt, %parallel_loop3A_57, %get3A_25 : vector<16xi32>
      %parallel_loop3A_60 = arith.constant 1023 : i32
      %parallel_loop3A_61 = vector.broadcast %parallel_loop3A_60 : i32 to vector<16xi32>
      %parallel_loop3A_62 = arith.andi %parallel_loop3A_54, %parallel_loop3A_61 : vector<16xi32>
      tpu.vector_store_idx %arg9[%parallel_loop3A_62], %broadcast_in_dim3A_22 masked %parallel_loop3A_58 {add = true} : memref<1024xi32, #tpu.memory_space<vmem>>[vector<16xi32>], vector<16xi32>, vector<16xi1>
      tpu.vector_store_idx %arg11[%parallel_loop3A_62], %parallel_loop3A_46 masked %parallel_loop3A_58 {add = true} : memref<1024xf32, #tpu.memory_space<vmem>>[vector<16xi32>], vector<16xf32>, vector<16xi1>
      %parallel_loop3A_63 = arith.select %parallel_loop3A_59, %parallel_loop3A_46, %broadcast_in_dim3A_24 : vector<16xi1>, vector<16xf32>
      %parallel_loop3A_64 = arith.constant 16 : i32
      %parallel_loop3A_65 = arith.addi %parallel_loop3A_42, %parallel_loop3A_64 : i32
      %parallel_loop3A_66 = arith.index_cast %parallel_loop3A_65 : i32 to index
      %parallel_loop3A_67 = tpu.vector_load %arg7[%parallel_loop3A_66] {strides = array<i32>} : memref<32768xf32, #tpu.memory_space<vmem>>, vector<16xf32>,
      %parallel_loop3A_68 = tpu.bitcast %parallel_loop3A_67 : vector<16xf32> -> vector<16xi32>
      %parallel_loop3A_69 = arith.constant 31 : i32
      %parallel_loop3A_70 = vector.broadcast %parallel_loop3A_69 : i32 to vector<16xi32>
      %parallel_loop3A_71 = arith.shrsi %parallel_loop3A_68, %parallel_loop3A_70 : vector<16xi32>
      %parallel_loop3A_72 = arith.constant -2147483648 : i32
      %parallel_loop3A_73 = vector.broadcast %parallel_loop3A_72 : i32 to vector<16xi32>
      %parallel_loop3A_74 = arith.ori %parallel_loop3A_71, %parallel_loop3A_73 : vector<16xi32>
      %parallel_loop3A_75 = arith.xori %parallel_loop3A_68, %parallel_loop3A_74 : vector<16xi32>
      %parallel_loop3A_76 = arith.constant 10 : i32
      %parallel_loop3A_77 = vector.broadcast %parallel_loop3A_76 : i32 to vector<16xi32>
      %parallel_loop3A_78 = arith.shrui %parallel_loop3A_75, %parallel_loop3A_77 : vector<16xi32>
      %parallel_loop3A_79 = arith.cmpi eq, %parallel_loop3A_78, %get3A_25 : vector<16xi32>
      %parallel_loop3A_80 = arith.cmpi slt, %parallel_loop3A_78, %get3A_25 : vector<16xi32>
      %parallel_loop3A_81 = arith.constant 1023 : i32
      %parallel_loop3A_82 = vector.broadcast %parallel_loop3A_81 : i32 to vector<16xi32>
      %parallel_loop3A_83 = arith.andi %parallel_loop3A_75, %parallel_loop3A_82 : vector<16xi32>
      tpu.vector_store_idx %arg10[%parallel_loop3A_83], %broadcast_in_dim3A_22 masked %parallel_loop3A_79 {add = true} : memref<1024xi32, #tpu.memory_space<vmem>>[vector<16xi32>], vector<16xi32>, vector<16xi1>
      tpu.vector_store_idx %arg12[%parallel_loop3A_83], %parallel_loop3A_67 masked %parallel_loop3A_79 {add = true} : memref<1024xf32, #tpu.memory_space<vmem>>[vector<16xi32>], vector<16xf32>, vector<16xi1>
      %parallel_loop3A_84 = arith.select %parallel_loop3A_80, %parallel_loop3A_67, %broadcast_in_dim3A_24 : vector<16xi1>, vector<16xf32>
      %parallel_loop3A_85 = arith.addf %parallel_loop3A_63, %parallel_loop3A_84 : vector<16xf32>
      %parallel_loop3A_86 = arith.addf %parallel_loop3A_40, %parallel_loop3A_85 : vector<16xf32>
      scf.yield %parallel_loop3A_86 : vector<16xf32>
    } {sc.loop_unroll_factor = 1 : i64, sc.parallel_access}
    %parallel_loop3A_30 = arith.constant 0 : i32
    %parallel_loop3A_31 = arith.constant 64 : i32
    %parallel_loop3A_32 = arith.constant 1 : i32
    scf.for %parallel_loop3A_39 = %parallel_loop3A_30 to %parallel_loop3A_31 step %parallel_loop3A_32  : i32 {
      %parallel_loop3A_40 = arith.constant 16 : i32
      %parallel_loop3A_41 = arith.muli %parallel_loop3A_39, %parallel_loop3A_40 : i32
      %parallel_loop3A_42 = arith.index_cast %parallel_loop3A_41 : i32 to index
      %parallel_loop3A_43 = tpu.vector_load %arg9[%parallel_loop3A_42] {strides = array<i32>} : memref<1024xi32, #tpu.memory_space<vmem>>, vector<16xi32>,
      %parallel_loop3A_44 = arith.index_cast %parallel_loop3A_41 : i32 to index
      %parallel_loop3A_45 = tpu.vector_load %arg10[%parallel_loop3A_44] {strides = array<i32>} : memref<1024xi32, #tpu.memory_space<vmem>>, vector<16xi32>,
      %parallel_loop3A_46 = arith.addi %parallel_loop3A_43, %parallel_loop3A_45 : vector<16xi32>
      %parallel_loop3A_47 = arith.index_cast %parallel_loop3A_41 : i32 to index
      %parallel_loop3A_48 = tpu.vector_load %arg9[%parallel_loop3A_47] {strides = array<i32>} : memref<1024xi32, #tpu.memory_space<vmem>>, vector<16xi32>,
      tpu.vector_store %arg9[%parallel_loop3A_47], %parallel_loop3A_46 {strides = array<i32>} : memref<1024xi32, #tpu.memory_space<vmem>>, vector<16xi32>,
      %parallel_loop3A_49 = arith.index_cast %parallel_loop3A_41 : i32 to index
      %parallel_loop3A_50 = tpu.vector_load %arg11[%parallel_loop3A_49] {strides = array<i32>} : memref<1024xf32, #tpu.memory_space<vmem>>, vector<16xf32>,
      %parallel_loop3A_51 = arith.index_cast %parallel_loop3A_41 : i32 to index
      %parallel_loop3A_52 = tpu.vector_load %arg12[%parallel_loop3A_51] {strides = array<i32>} : memref<1024xf32, #tpu.memory_space<vmem>>, vector<16xf32>,
      %parallel_loop3A_53 = arith.addf %parallel_loop3A_50, %parallel_loop3A_52 : vector<16xf32>
      %parallel_loop3A_54 = arith.index_cast %parallel_loop3A_41 : i32 to index
      %parallel_loop3A_55 = tpu.vector_load %arg11[%parallel_loop3A_54] {strides = array<i32>} : memref<1024xf32, #tpu.memory_space<vmem>>, vector<16xf32>,
      tpu.vector_store %arg11[%parallel_loop3A_54], %parallel_loop3A_53 {strides = array<i32>} : memref<1024xf32, #tpu.memory_space<vmem>>, vector<16xf32>,
    } {sc.loop_unroll_factor = 1 : i64, sc.parallel_access}
    "tpu.region"() ({
      %run_scoped3A = tpu.sem_alloc : memref<!tpu.dma_semaphore, #tpu.memory_space<semaphore_mem>>
      %dma_start3A = arith.constant 0 : i32
      %dma_start3A_39 = tpu.memref_slice %arg4[%add3A, %dma_start3A] : memref<32x1024xi32, #tpu.memory_space<hbm>> -> memref<1x1024xi32, #tpu.memory_space<hbm>>
      %dma_start3A_40 = tpu.memref_squeeze %dma_start3A_39 : memref<1x1024xi32, #tpu.memory_space<hbm>> -> memref<1024xi32, #tpu.memory_space<hbm>>
      %dma_start3A_41 = arith.constant 0 : i32
      %dma_start3A_42 = tpu.memref_slice %arg4[%add3A, %dma_start3A_41] : memref<32x1024xi32, #tpu.memory_space<hbm>> -> memref<1x1024xi32, #tpu.memory_space<hbm>>
      %dma_start3A_43 = tpu.memref_squeeze %dma_start3A_42 : memref<1x1024xi32, #tpu.memory_space<hbm>> -> memref<1024xi32, #tpu.memory_space<hbm>>
      tpu.enqueue_dma source(%arg9 : memref<1024xi32, #tpu.memory_space<vmem>>) target(%dma_start3A_43 : memref<1024xi32, #tpu.memory_space<hbm>>) target_semaphore(%run_scoped3A : memref<!tpu.dma_semaphore, #tpu.memory_space<semaphore_mem>>)
      %dma_wait3A = arith.constant 0 : i32
      %dma_wait3A_44 = tpu.memref_slice %arg4[%add3A, %dma_wait3A] : memref<32x1024xi32, #tpu.memory_space<hbm>> -> memref<1x1024xi32, #tpu.memory_space<hbm>>
      %dma_wait3A_45 = tpu.memref_squeeze %dma_wait3A_44 : memref<1x1024xi32, #tpu.memory_space<hbm>> -> memref<1024xi32, #tpu.memory_space<hbm>>
      %dma_wait3A_46 = arith.constant 0 : i32
      %dma_wait3A_47 = tpu.memref_slice %arg4[%add3A, %dma_wait3A_46] : memref<32x1024xi32, #tpu.memory_space<hbm>> -> memref<1x1024xi32, #tpu.memory_space<hbm>>
      %dma_wait3A_48 = tpu.memref_squeeze %dma_wait3A_47 : memref<1x1024xi32, #tpu.memory_space<hbm>> -> memref<1024xi32, #tpu.memory_space<hbm>>
      tpu.wait_dma2 semaphore(%run_scoped3A : memref<!tpu.dma_semaphore, #tpu.memory_space<semaphore_mem>>) src(%arg9 : memref<1024xi32, #tpu.memory_space<vmem>>) dst(%dma_wait3A_48 : memref<1024xi32, #tpu.memory_space<hbm>>)
      tpu.yield
    }) : () -> ()
    "tpu.region"() ({
      %run_scoped3A = tpu.sem_alloc : memref<!tpu.dma_semaphore, #tpu.memory_space<semaphore_mem>>
      %dma_start3A = arith.constant 0 : i32
      %dma_start3A_39 = tpu.memref_slice %arg5[%add3A, %dma_start3A] : memref<32x1024xf32, #tpu.memory_space<hbm>> -> memref<1x1024xf32, #tpu.memory_space<hbm>>
      %dma_start3A_40 = tpu.memref_squeeze %dma_start3A_39 : memref<1x1024xf32, #tpu.memory_space<hbm>> -> memref<1024xf32, #tpu.memory_space<hbm>>
      %dma_start3A_41 = arith.constant 0 : i32
      %dma_start3A_42 = tpu.memref_slice %arg5[%add3A, %dma_start3A_41] : memref<32x1024xf32, #tpu.memory_space<hbm>> -> memref<1x1024xf32, #tpu.memory_space<hbm>>
      %dma_start3A_43 = tpu.memref_squeeze %dma_start3A_42 : memref<1x1024xf32, #tpu.memory_space<hbm>> -> memref<1024xf32, #tpu.memory_space<hbm>>
      tpu.enqueue_dma source(%arg11 : memref<1024xf32, #tpu.memory_space<vmem>>) target(%dma_start3A_43 : memref<1024xf32, #tpu.memory_space<hbm>>) target_semaphore(%run_scoped3A : memref<!tpu.dma_semaphore, #tpu.memory_space<semaphore_mem>>)
      %dma_wait3A = arith.constant 0 : i32
      %dma_wait3A_44 = tpu.memref_slice %arg5[%add3A, %dma_wait3A] : memref<32x1024xf32, #tpu.memory_space<hbm>> -> memref<1x1024xf32, #tpu.memory_space<hbm>>
      %dma_wait3A_45 = tpu.memref_squeeze %dma_wait3A_44 : memref<1x1024xf32, #tpu.memory_space<hbm>> -> memref<1024xf32, #tpu.memory_space<hbm>>
      %dma_wait3A_46 = arith.constant 0 : i32
      %dma_wait3A_47 = tpu.memref_slice %arg5[%add3A, %dma_wait3A_46] : memref<32x1024xf32, #tpu.memory_space<hbm>> -> memref<1x1024xf32, #tpu.memory_space<hbm>>
      %dma_wait3A_48 = tpu.memref_squeeze %dma_wait3A_47 : memref<1x1024xf32, #tpu.memory_space<hbm>> -> memref<1024xf32, #tpu.memory_space<hbm>>
      tpu.wait_dma2 semaphore(%run_scoped3A : memref<!tpu.dma_semaphore, #tpu.memory_space<semaphore_mem>>) src(%arg11 : memref<1024xf32, #tpu.memory_space<vmem>>) dst(%dma_wait3A_48 : memref<1024xf32, #tpu.memory_space<hbm>>)
      tpu.yield
    }) : () -> ()
    %broadcast_in_dim3A_33 = arith.constant 0.000000e+00 : f32
    %broadcast_in_dim3A_34 = vector.broadcast %broadcast_in_dim3A_33 : f32 to vector<16xf32>
    %parallel_loop3A_35 = arith.constant 0 : i32
    %parallel_loop3A_36 = arith.constant 8 : i32
    %parallel_loop3A_37 = arith.constant 1 : i32
    scf.for %parallel_loop3A_39 = %parallel_loop3A_35 to %parallel_loop3A_36 step %parallel_loop3A_37  : i32 {
      %parallel_loop3A_40 = arith.constant 16 : i32
      %parallel_loop3A_41 = arith.muli %parallel_loop3A_39, %parallel_loop3A_40 : i32
      %parallel_loop3A_42 = arith.index_cast %parallel_loop3A_41 : i32 to index
      %parallel_loop3A_43 = tpu.vector_load %arg13[%parallel_loop3A_42] {strides = array<i32>} : memref<128xf32, #tpu.memory_space<vmem>>, vector<16xf32>,
      tpu.vector_store %arg13[%parallel_loop3A_42], %broadcast_in_dim3A_34 {strides = array<i32>} : memref<128xf32, #tpu.memory_space<vmem>>, vector<16xf32>,
    } {sc.loop_unroll_factor = 1 : i64, sc.parallel_access}
    %swap3A = arith.constant 0 : index
    %swap3A_38 = tpu.vector_load %arg13[%swap3A] {strides = array<i32>} : memref<128xf32, #tpu.memory_space<vmem>>, vector<16xf32>,
    tpu.vector_store %arg13[%swap3A], %parallel_loop3A_29 {strides = array<i32>} : memref<128xf32, #tpu.memory_space<vmem>>, vector<16xf32>,
    "tpu.region"() ({
      %run_scoped3A = tpu.sem_alloc : memref<!tpu.dma_semaphore, #tpu.memory_space<semaphore_mem>>
      %dma_start3A = arith.constant 0 : i32
      %dma_start3A_39 = tpu.memref_slice %arg6[%add3A, %dma_start3A] : memref<32x128xf32, #tpu.memory_space<hbm>> -> memref<1x128xf32, #tpu.memory_space<hbm>>
      %dma_start3A_40 = tpu.memref_squeeze %dma_start3A_39 : memref<1x128xf32, #tpu.memory_space<hbm>> -> memref<128xf32, #tpu.memory_space<hbm>>
      %dma_start3A_41 = arith.constant 0 : i32
      %dma_start3A_42 = tpu.memref_slice %arg6[%add3A, %dma_start3A_41] : memref<32x128xf32, #tpu.memory_space<hbm>> -> memref<1x128xf32, #tpu.memory_space<hbm>>
      %dma_start3A_43 = tpu.memref_squeeze %dma_start3A_42 : memref<1x128xf32, #tpu.memory_space<hbm>> -> memref<128xf32, #tpu.memory_space<hbm>>
      tpu.enqueue_dma source(%arg13 : memref<128xf32, #tpu.memory_space<vmem>>) target(%dma_start3A_43 : memref<128xf32, #tpu.memory_space<hbm>>) target_semaphore(%run_scoped3A : memref<!tpu.dma_semaphore, #tpu.memory_space<semaphore_mem>>)
      %dma_wait3A = arith.constant 0 : i32
      %dma_wait3A_44 = tpu.memref_slice %arg6[%add3A, %dma_wait3A] : memref<32x128xf32, #tpu.memory_space<hbm>> -> memref<1x128xf32, #tpu.memory_space<hbm>>
      %dma_wait3A_45 = tpu.memref_squeeze %dma_wait3A_44 : memref<1x128xf32, #tpu.memory_space<hbm>> -> memref<128xf32, #tpu.memory_space<hbm>>
      %dma_wait3A_46 = arith.constant 0 : i32
      %dma_wait3A_47 = tpu.memref_slice %arg6[%add3A, %dma_wait3A_46] : memref<32x128xf32, #tpu.memory_space<hbm>> -> memref<1x128xf32, #tpu.memory_space<hbm>>
      %dma_wait3A_48 = tpu.memref_squeeze %dma_wait3A_47 : memref<1x128xf32, #tpu.memory_space<hbm>> -> memref<128xf32, #tpu.memory_space<hbm>>
      tpu.wait_dma2 semaphore(%run_scoped3A : memref<!tpu.dma_semaphore, #tpu.memory_space<semaphore_mem>>) src(%arg13 : memref<128xf32, #tpu.memory_space<vmem>>) dst(%dma_wait3A_48 : memref<128xf32, #tpu.memory_space<hbm>>)
      tpu.yield
    }) : () -> ()
    return
  }
}

</mosaic_0001>

<sc_bundles>
// kernel: kernel.11.cloned.1.call-start
scs
__scs_entry_jumppad:
0x0: {  	(pc) =	sbr.rel $0x88, $3  }
0x1: {  	(tag) =	ssettag $0x0;
	lr =	simm.s32 $0x1  }
0x2: {  	[smem:$0x3FA0] =	sst lr;
	_ =	strace $0xD0000000  }
0x3: {  	_ = 	snop  }
0x4: {  	_ = 	snop  }
0x5: {  	_ = 	snop  }
0x6: {  	_ = 	snop  }
0x7: {  	_ = 	snop  }
__scs_overlays_trampoline_lowered:
0x8: {  	[smem:$0x3FAF] =	sst s0  }
0x9: {  	[smem:$0x3FB0] =	sst s1  }
0xa: {  	[smem:$0x3FB1] =	sst s2  }
0xb: {  	[smem:$0x3FB2] =	sst s3  }
0xc: {  	[smem:$0x3FB3] =	sst s4  }
0xd: {  	[smem:$0x3FB4] =	sst s5  }
0xe: {  	[smem:$0x3FB5] =	sst s6  }
0xf: {  	[smem:$0x3FB6] =	sst s7  }
0x10: {  	[smem:$0x3FB7] =	sst s8  }
0x11: {  	[smem:$0x3FB8] =	sst s9;
	s0 =	simm.s32 @!p0 $0x0  }
0x12: {  	s1 =	sld [smem:$0x3F9E];
	s0 =	simm.s32 @p0 $0x1  }
0x13: {  	[smem:$0x3FB9] =	sst s0;
	s0 =	simm.s32 @!p1 $0x0  }
0x14: {  	s2 =	sld [smem:$0x3F9D];
	s0 =	simm.s32 @p1 $0x1  }
0x15: {  	[smem:$0x3FBA] =	sst s0;
	s0 =	simm.s32 @!p2 $0x0  }
0x16: {  	s3 =	sld [smem:$0x3FDB];
	s0 =	simm.s32 @p2 $0x1  }
0x17: {  	s4 =	simm.s32 $0x1BF5;
	[smem:$0x3FBC] =	sst s0  }
0x18: {  	s0 =	sld [smem:$0x3F9F];
	_ =	swait.ge [sflag:s4], $0x0  }
0x19: {  	s7 =	sld [smem:$0x3FA0]  }
0x1a: {  	s8 =	sadd.s32 $0xFFFFE003, lr  }
0x1b: {  	s9 =	sadd.s32 $0xFFFFFEF7, lr;
	s5 =	simm.s32 $0xFFFFFFFF;
	p2 =	slt.u32 s8, $0xFFFFF086  }
0x1c: {  	p1 =	slt.u32 s9, $0xF7A;
	s5 =	simm.s32 @!p2 $0x0  }
0x1d: {  	s5 =	simm.s32 @p1 $0x1;
	p0 =	seq.s32 s7, s2  }
0x1e: {  	s7 =	smul.u32 @!p0 $0xF7A, s2;
	p2 =	seq.s32 @!p0 s5, $0x0  }
0x1f: {  	s9 =	smul.u32 $0xF7A, s1;
	s8 =	simm.s32 @!p0 $0x1BF5;
	p2 =	por !p2, p0  }
0x20: {  	[sflag:s8] =	ssyncset.s32 @!p0 $0xFFFFF086;
	s6 =	sadd.s32 @!p0 s3, s7;
	s7 =	simm.s32 @!p0 $0x108  }
0x21: {  	s3 =	sadd.s32 s3, s9;
	s6 =	sadd.s32 @!p0 $0x88, s6;
	s7 =	simm.s32 @p2 $0x1082  }
0x22: {  	[simem:s7], [sflag:s8] =	dma.local @!p0 [hbm:s6], $0xF7A  }
0x23: {  	s9 =	sor.u32 $0xD0000000, s2;
	s6 =	simm.s32 $0x108;
	_ =	swait.ge @!p0 [sflag:s8], $0x0  }
0x24: {  	s3 =	sadd.s32 $0x88, s3;
	s6 =	simm.s32 @!p1 $0x1082;
	[sflag:s4] =	ssyncset.s32 $0xFFFFF086  }
0x25: {  	[simem:s6], [sflag:s4] =	dma.local [hbm:s3], $0xF7A  }
0x26: {  	[smem:$0x3FA0] =	sst s1;
	(tag) =	ssettag s2;
	_ =	strace s9  }
0x27: {  	s1 =	sld [smem:$0x3FB0]  }
0x28: {  	s2 =	sld [smem:$0x3FB1]  }
0x29: {  	s4 =	sld [smem:$0x3FB3]  }
0x2a: {  	p0 =	seq.s32 s5, $0x0;
	s5 =	sld [smem:$0x3FB4]  }
0x2b: {  	s6 =	sld [smem:$0x3FB5]  }
0x2c: {  	s7 =	sld [smem:$0x3FB6]  }
0x2d: {  	s3 =	simm.s32 $0x108;
	s8 =	sld [smem:$0x3FB7]  }
0x2e: {  	s3 =	simm.s32 @!p0 $0x1082;
	s9 =	sld [smem:$0x3FB8]  }
0x2f: {  	lr =	sadd.s32 s0, s3;
	s0 =	sld [smem:$0x3FAF]  }
0x30: {  	s3 =	sld [smem:$0x3FB2]  }
0x31: {  	[smem:$0x3FBB] =	sst s10  }
0x32: {  	s10 =	sld [smem:$0x3FB9];
	_ =	sdelay $0x3  }
0x33: {  	p0 =	seq.s32 s10, $0x1;
	s10 =	sld [smem:$0x3FBB];
	_ =	sdelay $0x3  }
0x34: {  	[smem:$0x3FBB] =	sst s10  }
0x35: {  	s10 =	sld [smem:$0x3FBA];
	_ =	sdelay $0x3  }
0x36: {  	p1 =	seq.s32 s10, $0x1;
	s10 =	sld [smem:$0x3FBB];
	_ =	sdelay $0x3  }
0x37: {  	[smem:$0x3FBB] =	sst s10  }
0x38: {  	s10 =	sld [smem:$0x3FBC]  }
0x39: {  	_ = 	snop;
	(pc) =	sbr.ind lr, $3  }
0x3a: {  	_ = 	snop  }
0x3b: {  	_ = 	snop  }
0x3c: {  	p2 =	seq.s32 s10, $0x1;
	s10 =	sld [smem:$0x3FBB]  }
0x3d: {  	_ =	shalt  }
0x3e: {  	_ =	shalt  }
0x3f: {  	_ =	shalt  }
0x40: {  	_ =	shalt  }
0x41: {  	_ =	shalt  }
0x42: {  	_ =	shalt  }
0x43: {  	_ =	shalt  }
0x44: {  	_ =	shalt  }
0x45: {  	_ =	shalt  }
0x46: {  	_ =	shalt  }
0x47: {  	_ =	shalt  }
0x48: {  	_ =	shalt  }
0x49: {  	_ =	shalt  }
0x4a: {  	_ =	shalt  }
0x4b: {  	_ =	shalt  }
0x4c: {  	_ =	shalt  }
0x4d: {  	_ =	shalt  }
0x4e: {  	_ =	shalt  }
0x4f: {  	_ =	shalt  }
0x50: {  	_ =	shalt  }
0x51: {  	_ =	shalt  }
0x52: {  	_ =	shalt  }
0x53: {  	_ =	shalt  }
0x54: {  	_ =	shalt  }
0x55: {  	_ =	shalt  }
0x56: {  	_ =	shalt  }
0x57: {  	_ =	shalt  }
0x58: {  	_ =	shalt  }
0x59: {  	_ =	shalt  }
0x5a: {  	_ =	shalt  }
0x5b: {  	_ =	shalt  }
0x5c: {  	_ =	shalt  }
0x5d: {  	_ =	shalt  }
0x5e: {  	_ =	shalt  }
0x5f: {  	_ =	shalt  }
0x60: {  	_ =	shalt  }
0x61: {  	_ =	shalt  }
0x62: {  	_ =	shalt  }
0x63: {  	_ =	shalt  }
0x64: {  	_ =	shalt  }
0x65: {  	_ =	shalt  }
0x66: {  	_ =	shalt  }
0x67: {  	_ =	shalt  }
0x68: {  	_ =	shalt  }
0x69: {  	_ =	shalt  }
0x6a: {  	_ =	shalt  }
0x6b: {  	_ =	shalt  }
0x6c: {  	_ =	shalt  }
0x6d: {  	_ =	shalt  }
0x6e: {  	_ =	shalt  }
0x6f: {  	_ =	shalt  }
0x70: {  	_ =	shalt  }
0x71: {  	_ =	shalt  }
0x72: {  	_ =	shalt  }
0x73: {  	_ =	shalt  }
0x74: {  	_ =	shalt  }
0x75: {  	_ =	shalt  }
0x76: {  	_ =	shalt  }
0x77: {  	_ =	shalt  }
0x78: {  	_ =	shalt  }
0x79: {  	_ =	shalt  }
0x7a: {  	_ =	shalt  }
0x7b: {  	_ =	shalt  }
0x7c: {  	_ =	shalt  }
0x7d: {  	_ =	shalt  }
0x7e: {  	_ =	shalt  }
0x7f: {  	_ =	shalt  }
0x80: {  	_ =	shalt  }
0x81: {  	_ =	shalt  }
0x82: {  	_ =	shalt  }
0x83: {  	_ =	shalt  }
0x84: {  	_ =	shalt  }
0x85: {  	_ =	shalt  }
0x86: {  	_ =	shalt  }
0x87: {  	_ =	shalt  }
.Lfunc_end0:
.L_simem_size_0:
called_computation.2_lowered:
.L_overlay_start_0:
0x88: {  	s2 =	sld [smem:$0x3FD9]  }
0x89: {  	s3 =	sld [smem:$0x3FFE];
	_ =	sdelay $0x1  }
0x8a: {  	s1 =	srdreg.scid  }
0x8b: {  	s0 =	sand.u32 $0x1, s1  }
0x8c: {  	s17 =	sshll.u32 s0, $0xA;
	s2 =	sadd.s32 s3, s2  }
0x8d: {  	s2 =	sadd.s32 s2, s17  }
0x8e: {  	[smem:$0x3FC7] =	sst s2  }
0x8f: {  	_ = 	snop  }
0x90: {  	s2 =	sld [smem:$0x3FC9];
	(tm) =	ssettm $0x1  }
0x91: {  	s18 =	sld [smem:$0x3FFB];
	_ =	sdelay $0x3  }
0x92: {  	_ =	strace s18  }
0x93: {  	s3 =	sld [smem:$0x3FFC];
	_ =	sdelay $0x3  }
0x94: {  	_ =	strace s3  }
0x95: {  	s3 =	sld [smem:$0x3FFD];
	_ =	sdelay $0x3  }
0x96: {  	_ =	strace s3  }
0x97: {  	_ =	strace $0x8FFFFFFF  }
0x98: {  	s19 =	sld [smem:$0x3FDB];
	_ =	sdelay $0x1  }
0x99: {  	s4 =	simm.s32 $_scs_section_size  }
0x9a: {  	s5 =	simm.s32 $_size__tile_overlayer_lowered;
	s6 =	simm.s32 $_tile_overlayer_lowered  }
0x9b: {  	s22 =	simm.s32 $0x1BFF;
	s21 =	sshll.u32 s6, $0x1;
	s3 =	sadd.s32 s4, s19  }
0x9c: {  	s7 =	simm.s32 $0x0;
	s20 =	sshll.u32 s5, $0x1;
	s5 =	sadd.s32 s21, s3  }
0x9d: {  	[timem:s7], [sflag:s22] =	dma.local [hbm:s5], s20  }
0x9e: {  	_ =	swait.ge [sflag:s22], s20  }
0x9f: {  	s4 =	ssub.s32 $0x0, s20;
	[sflag:s22] =	ssyncset.done $0x0  }
0xa0: {  	[sflag:s22] =	ssyncadd.s32 s4;
	_ =	sdelay $0x1  }
0xa1: {  	s23 =	simm.s32 $0x1B8B  }
0xa2: {  	_ =	swait.ge [sflag:s23], $0x1  }
0xa3: {  	[sflag:s23] =	ssyncset.done $0x0  }
0xa4: {  	s25 =	simm.s32 $0x1B8E;
	s24 =	sld [smem:$0x3FFE];
	[sflag:s23] =	ssyncadd.s32 $0xFFFFFFFF  }
0xa5: {  	s26 =	simm.s32 $execute0_lowered;
	[smem:$0x3FD2] =	sst s25  }
0xa6: {  	s5 =	sshll.u32 s26, $0x1;
	_ =	strace $0x8000004C;
	[dreg:$0x1] =	wrdreg $0xFFFFFFFF  }
0xa7: {  	s28 =	simm.s32 $_size_execute0_lowered;
	s3 =	sadd.s32 s3, s5;
	[dreg:$0x0] =	wrdreg $0x0  }
0xa8: {  	s5 =	sshll.u32 s28, $0x1;
	[dreg:$0x2] =	wrdreg s3  }
0xa9: {  	[dreg:$0x3] =	wrdreg s5  }
0xaa: {  	[dreg:$0x4] =	wrdreg $0xC0  }
0xab: {  	_ =	task [dreg:s7], $0x5FFFF  }
0xac: {  	[dreg:$0x1] =	wrdreg $0xFFFFFFFF  }
0xad: {  	[dreg:$0x0] =	wrdreg $0x60  }
0xae: {  	[dreg:$0x2] =	wrdreg s2  }
0xaf: {  	[dreg:$0x3] =	wrdreg s24  }
0xb0: {  	[dreg:$0x4] =	wrdreg $0x9  }
0xb1: {  	_ =	task.clear_ibuf [dreg:s7], $0x5FFFF;
	_ =	strace $0x9000004C  }
0xb2: {  	s29 =	simm.s32 $0x9;
	_ =	strace $0x8000004E  }
0xb3: {  	_ =	swait.ge [sflag:s29], $0x1  }
0xb4: {  	[sflag:s29] =	ssyncadd.s32 $0xFFFFFFFF  }
0xb5: {  	_ =	strace $0x9000004E  }
0xb6: {  	_ =	sfence  }
0xb7: {  	s30 =	sld [smem:$0x0];
	_ =	sdelay $0x2  }
0xb8: {  	s31 =	sshll.u32 s1, $0xD;
	s1 =	sshrl.u32 s1, $0x2  }
0xb9: {  	s3 =	sand.u32 $0x4000, s31;
	s1 =	sadd.s32 s1, s30  }
0xba: {  	s0 =	sor.u32 s3, s0;
	s1 =	sshll.u32 s1, $0x11  }
0xbb: {  	s0 =	sor.u32 s1, s0  }
0xbc: {  	s0 =	sadd.s32 $0x8F2B, s0  }
0xbd: {  	[sflag:s0] =	ssyncadd.remote.s32 $0x1  }
0xbe: {  	_ =	sfence.sel $0xFFFF  }
0xbf: {  	[dreg:$0x0] =	wrdreg $0xFFFFFFFF;
	(pc) =	sbr.abs _section_cstart, $3  }
0xc0: {  	[dreg:$0x1] =	wrdreg $0xFFFFFFFF  }
0xc1: {  	_ =	task.clear_ibuf [dreg:s7], $0x2FFFF;
	_ =	strace $0x9FFFFFFF  }
0xc2: {  	(tm) =	ssettm $0x7FFFFFFF  }
0xc3: {  	_ =	shalt  }
tec
execute0_lowered:
.L_overlay_start_1:
0x0: {  	(tag) =	ssettag $0x1  }
0x1: {  	s4 =	rddreg [dreg:$0x0]  }
0x2: {  	s1 =	srdreg.scid;
	s0 =	stileid.u32  }
0x3: {  	s5 =	rddreg [dreg:$0x1];
	s2 =	simm.s32 $0x0;
	s11 =	simm.s32 $0x8080  }
0x4: {  	s12 =	simm.s32 $0x8880;
	s13 =	simm.s32 $0x8480;
	s14 =	simm.s32 $0x8C80  }
0x5: {  	s15 =	simm.s32 $0x80;
	s16 =	simm.s32 $0x400;
	s17 =	simm.s32 $0x9080  }
0x6: {  	s18 =	simm.s32 $0x0;
	s6 =	sand.u32 $0x1, s1;
	s1 =	rddreg [dreg:$0x2]  }
0x7: {  	s3 =	sshll.u32 s0, $0x1;
	[smem:$0x7FF] =	sst s2;
	s8 =	sshrl.u32 s0, $0x2  }
0x8: {  	s7 =	sor.u32 s6, s3;
	_ =	strace $0x8000004D;
	s10 =	sshll.u32 s8, $0xD  }
0x9: {  	s8 =	sshll.u32 s8, $0xA;
	s6 =	ssub.s32 $0x2, s6;
	s3 =	sshll.u32 s7, $0x7  }
0xa: {  	s30 =	sshrl.u32 s6, $0x1;
	s31 =	sshll.u32 s7, $0xC;
	s9 =	sand.u32 $0x380, s3  }
0xb: {  	s3 =	sadd.s32 $0x600, s5;
	s10 =	sor.u32 s10, s9;
	s8 =	sor.u32 s8, s9  }
0xc: {  	s4 =	sadd.s32 s4, s31;
	s10 =	sshrl.u32 s10, $0x3;
	s8 =	sshrl.u32 s8, $0x3  }
0xd: {  	s9 =	simm.s32 $0x1;
	s29 =	sadd.s32 s10, s5;
	s8 =	sadd.s32 s8, s5  }
0xe: {  	s10 =	ssub.s32 s6, s30;
	s5 =	sadd.s32 $0x800, s29;
	s6 =	sadd.s32 $0x1A00, s29  }
0xf: {  	v0 =	vimm.s32 $0x0;
	v1 =	vimm.f32 $0.0e+00;
	v2 =	vimm.s32 $0x1;
	s7 =	sadd.s32 $0x1800, s8;
	s8 =	smax.u32 s10, $0x1;
	s10 =	simm.s32 $0x8000  }
.LBB2_1:
0x10: {  	[tilespmem:s2], [sflag:$0x1] =	stream.linear.gather [hbm4b:s4+s2], $0x8000, $0x38;
	[tilespmem:$0x9100] =	vst v63  }
0x11: {  	_ =	swait.ge [sflag:s9], $0x8000  }
0x12: {  	[sflag:s9] =	ssyncset.done $0x0  }
0x13: {  	[sflag:s9] =	ssyncadd.s32 $0xFFFF8000  }
0x14: {  	[tilespmem:s10], [sflag:$0x1] =	stream.linear.gather [hbm4b:s3+s2], $0x80, $0x38;
	[tilespmem:$0x9100] =	vst v63  }
0x15: {  	_ =	swait.ge [sflag:s9], $0x80  }
0x16: {  	[sflag:s9] =	ssyncset.done $0x0  }
0x17: {  	s19 =	simm.s32 $0x40;
	s20 =	simm.s32 $0x0;
	[sflag:s9] =	ssyncadd.s32 $0xFFFFFF80  }
.LBB2_2:
0x18: {  	p0 =	sne.s32 s19, $0xFC0;
	[tilespmem:s20+$0x8080] =	vst v0;
	s20 =	smov.u32 s19;
	s19 =	sadd.s32 $0x40, s19  }
.Ltmp0:
0x19: {  	(pc) =	sbr.rel @p0 .LBB2_2-.Ltmp0, $2  }
0x1a: {  	_ =	sdelay $0x2  }
0x1b: {  	s20 =	sshra.s32 s20, $0x2  }
0x1c: {  	[tilespmem:s20+$0x8080] =	vst v0;
	s19 =	simm.s32 $0x0;
	s20 =	simm.s32 $0x40;
	s21 =	simm.s32 $0x0  }
.LBB2_4:
0x1d: {  	p0 =	sne.s32 s20, $0xFC0;
	[tilespmem:s21+$0x8480] =	vst v0;
	s21 =	smov.u32 s20;
	s20 =	sadd.s32 $0x40, s20  }
.Ltmp1:
0x1e: {  	(pc) =	sbr.rel @p0 .LBB2_4-.Ltmp1, $2  }
0x1f: {  	_ =	sdelay $0x2  }
0x20: {  	s21 =	sshra.s32 s21, $0x2  }
0x21: {  	[tilespmem:s21+$0x8480] =	vst v0  }
.LBB2_6:
0x22: {  	p0 =	sne.s32 s19, $0xFC0  }
.Ltmp2:
0x23: {  	_ = 	snop;
	(pc) =	sbr.rel @p0 .LBB2_6-.Ltmp2, $3  }
0x24: {  	_ =	sdelay $0x1  }
0x25: {  	s20 =	sshra.s32 s19, $0x2  }
0x26: {  	s19 =	sadd.s32 $0x40, s19;
	[tilespmem:s20+$0x8880] =	vst v1  }
0x27: {  	s19 =	simm.s32 $0x40;
	s20 =	simm.s32 $0x0  }
.LBB2_8:
0x28: {  	p0 =	sne.s32 s19, $0xFC0;
	[tilespmem:s20+$0x8C80] =	vst v1;
	s20 =	smov.u32 s19;
	s19 =	sadd.s32 $0x40, s19  }
.Ltmp3:
0x29: {  	(pc) =	sbr.rel @p0 .LBB2_8-.Ltmp3, $2  }
0x2a: {  	_ =	sdelay $0x2  }
0x2b: {  	s20 =	sshra.s32 s20, $0x2  }
0x2c: {  	[tilespmem:s20+$0x8C80] =	vst v1;
	s19 =	simm.s32 $0x0  }
0x2d: {  	v6 =	vld [tilespmem:s19+$0x0];
	_ =	sdelay $0x3  }
0x2e: {  	v3 =	vld [tilespmem:$0x8000]  }
0x2f: {  	v4 =	vshra.s32 v6, $0x1F  }
0x30: {  	s22 =	simm.s32 $0x20;
	v4 =	vor.u32 $0x80000000, v4  }
0x31: {  	v7 =	vld [tilespmem:s22+$0x0];
	v4 =	vxor.u32 v6, v4  }
0x32: {  	v9 =	vshrl.u32 v4, $0xA  }
0x33: {  	vm0 =	veq.s32 v9, v3  }
0x34: {  	v4 =	vand.u32 $0x3FF, v4;
	_ =	sdelay $0x1  }
0x35: {  	v5 =	vshra.s32 v7, $0x1F  }
0x36: {  	s20 =	simm.s32 $0x40;
	v5 =	vor.u32 $0x80000000, v5  }
0x37: {  	v11 =	vld [tilespmem:s20+$0x0];
	v5 =	vxor.u32 v7, v5  }
0x38: {  	v10 =	vshrl.u32 v5, $0xA;
	[tilespmem:v4+s11+$0x0] =	vst.idx.add.s32.msk vm0, v2  }
0x39: {  	vm2 =	veq.s32 v10, v3;
	[tilespmem:v4+s12+$0x0] =	vst.idx.add.f32.msk vm0, v6  }
0x3a: {  	v12 =	vand.u32 $0x3FF, v5;
	v8 =	vld [tilespmem:s19+$0x10];
	_ =	sdelay $0x1  }
0x3b: {  	v4 =	vshra.s32 v11, $0x1F  }
0x3c: {  	s21 =	simm.s32 $0x60;
	v4 =	vor.u32 $0x80000000, v4  }
0x3d: {  	v5 =	vld [tilespmem:s21+$0x0];
	vm0 =	vlt.s32 v9, v3;
	v13 =	vxor.u32 v11, v4  }
0x3e: {  	[tilespmem:v12+s11+$0x0] =	vst.idx.add.s32.msk vm2, v2;
	v17 =	vnsel vm0, $0x0, v6;
	v15 =	vshrl.u32 v13, $0xA;
	v6 =	vshra.s32 v8, $0x1F  }
0x3f: {  	[tilespmem:v12+s12+$0x0] =	vst.idx.add.f32.msk vm2, v7;
	vm1 =	veq.s32 v15, v3;
	v6 =	vor.u32 $0x80000000, v6  }
0x40: {  	vm0 =	vlt.s32 v10, v3;
	v10 =	vld [tilespmem:s22+$0x10];
	v14 =	vand.u32 $0x3FF, v13;
	v6 =	vxor.u32 v8, v6  }
0x41: {  	v9 =	vnsel vm0, $0x0, v7;
	vm0 =	vlt.s32 v15, v3;
	v12 =	vshrl.u32 v6, $0xA  }
0x42: {  	v13 =	vshra.s32 v5, $0x1F;
	v7 =	vnsel vm0, $0x0, v11;
	vm0 =	veq.s32 v12, v3  }
0x43: {  	s22 =	simm.s32 $0x80;
	v13 =	vor.u32 $0x80000000, v13;
	vm2 =	vlt.s32 v12, v3;
	v12 =	vand.u32 $0x3FF, v6  }
0x44: {  	v4 =	vimm.f32 $0.0e+00;
	v16 =	vxor.u32 v5, v13;
	v6 =	vld [tilespmem:s22+$0x0];
	v15 =	vnsel vm2, $0x0, v8  }
0x45: {  	s23 =	simm.s32 $0x280;
	[tilespmem:v14+s11+$0x0] =	vst.idx.add.s32.msk vm1, v2;
	v13 =	vadd.f32 v15, v17;
	v15 =	vshrl.u32 v16, $0xA;
	v17 =	vshra.s32 v10, $0x1F  }
.LBB2_10:
0x46: {  	p0 =	sne.s32 s23, $0x1FF80;
	vm2 =	vlt.s32 v15, v3;
	[tilespmem:v14+s12+$0x0] =	vst.idx.add.f32.msk vm1, v11;
	vm1 =	veq.s32 v15, v3;
	v17 =	vor.u32 $0x80000000, v17  }
0x47: {  	v14 =	vand.u32 $0x3FF, v16;
	v11 =	vmovc v5;
	v15 =	vnsel vm2, $0x0, v5;
	v18 =	vld [tilespmem:s20+$0x10];
	v16 =	vxor.u32 v10, v17;
	s20 =	smov.u32 s21;
	s21 =	smov.u32 s22  }
.Ltmp4:
0x48: {  	v4 =	vadd.f32 v13, v4;
	v19 =	vshrl.u32 v16, $0xA;
	[tilespmem:v12+s13+$0x0] =	vst.idx.add.s32.msk vm0, v2;
	(pc) =	sbr.rel @p0 .LBB2_10-.Ltmp4, $4  }
0x49: {  	v13 =	vshra.s32 v6, $0x1F;
	vm2 =	vlt.s32 v19, v3;
	[tilespmem:v12+s14+$0x0] =	vst.idx.add.f32.msk vm0, v8;
	vm0 =	veq.s32 v19, v3  }
0x4a: {  	s22 =	sshra.s32 s23, $0x2;
	v12 =	vand.u32 $0x3FF, v16;
	v8 =	vmovc v10;
	v5 =	vmovc v6;
	v13 =	vor.u32 $0x80000000, v13;
	v17 =	vnsel vm2, $0x0, v10  }
0x4b: {  	v6 =	vld [tilespmem:s22+$0x0];
	v16 =	vxor.u32 v5, v13;
	v13 =	vadd.f32 v17, v9;
	v9 =	vmovc v7;
	v7 =	vmov v15  }
0x4c: {  	s23 =	sadd.s32 $0x80, s23;
	v15 =	vshrl.u32 v16, $0xA;
	[tilespmem:v14+s11+$0x0] =	vst.idx.add.s32.msk vm1, v2;
	v17 =	vshra.s32 v18, $0x1F;
	v10 =	vmov v18  }
0x4d: {  	_ =	sdelay $0x2  }
0x4e: {  	v18 =	vshra.s32 v6, $0x1F  }
0x4f: {  	vm2 =	veq.s32 v15, v3;
	v18 =	vor.u32 $0x80000000, v18  }
0x50: {  	v16 =	vand.u32 $0x3FF, v16;
	v18 =	vxor.u32 v6, v18  }
0x51: {  	v19 =	vshrl.u32 v18, $0xA  }
0x52: {  	vm3 =	veq.s32 v19, v3  }
0x53: {  	[tilespmem:v14+s12+$0x0] =	vst.idx.add.f32.msk vm1, v11;
	v56 =	vand.u32 $0x3FF, v18  }
0x54: {  	v14 =	vld [tilespmem:s20+$0x10]  }
0x55: {  	[tilespmem:v16+s11+$0x0] =	vst.idx.add.s32.msk vm2, v2  }
0x56: {  	[tilespmem:v16+s12+$0x0] =	vst.idx.add.f32.msk vm2, v5  }
0x57: {  	v16 =	vld [tilespmem:s21+$0x10]  }
0x58: {  	[tilespmem:v56+s11+$0x0] =	vst.idx.add.s32.msk vm3, v2  }
0x59: {  	[tilespmem:v56+s12+$0x0] =	vst.idx.add.f32.msk vm3, v6  }
0x5a: {  	v57 =	vor.u32 $0x80000000, v17;
	v58 =	vld [tilespmem:s22+$0x10]  }
0x5b: {  	v11 =	vxor.u32 v10, v57;
	v59 =	vshra.s32 v14, $0x1F  }
0x5c: {  	v20 =	vshrl.u32 v11, $0xA;
	v18 =	vor.u32 $0x80000000, v59  }
0x5d: {  	vm15 =	veq.s32 v20, v3;
	v18 =	vxor.u32 v14, v18;
	v21 =	vshra.s32 v16, $0x1F  }
0x5e: {  	v11 =	vand.u32 $0x3FF, v11;
	v22 =	vshrl.u32 v18, $0xA;
	v21 =	vor.u32 $0x80000000, v21  }
0x5f: {  	vm8 =	veq.s32 v22, v3;
	v21 =	vxor.u32 v16, v21;
	v23 =	vshra.s32 v58, $0x1F  }
0x60: {  	v18 =	vand.u32 $0x3FF, v18;
	v24 =	vshrl.u32 v21, $0xA;
	v23 =	vor.u32 $0x80000000, v23  }
0x61: {  	[tilespmem:v12+s13+$0x0] =	vst.idx.add.s32.msk vm0, v2;
	vm9 =	veq.s32 v24, v3;
	v23 =	vxor.u32 v58, v23  }
0x62: {  	[tilespmem:v12+s14+$0x0] =	vst.idx.add.f32.msk vm0, v8;
	v8 =	vand.u32 $0x3FF, v21;
	v60 =	vshrl.u32 v23, $0xA  }
0x63: {  	vm10 =	vlt.s32 v20, v3;
	[tilespmem:v11+s13+$0x0] =	vst.idx.add.s32.msk vm15, v2;
	vm4 =	veq.s32 v60, v3  }
0x64: {  	v4 =	vadd.f32 v13, v4;
	v61 =	vnsel vm10, $0x0, v10;
	[tilespmem:v11+s14+$0x0] =	vst.idx.add.f32.msk vm15, v10;
	v62 =	vand.u32 $0x3FF, v23  }
0x65: {  	v9 =	vadd.f32 v61, v9;
	vm11 =	vlt.s32 v22, v3;
	[tilespmem:v18+s13+$0x0] =	vst.idx.add.s32.msk vm8, v2  }
0x66: {  	vm12 =	vlt.s32 v15, v3;
	v63 =	vnsel vm11, $0x0, v14;
	[tilespmem:v18+s14+$0x0] =	vst.idx.add.f32.msk vm8, v14  }
0x67: {  	v4 =	vadd.f32 v9, v4;
	v7 =	vadd.f32 v63, v7;
	[tilespmem:v8+s13+$0x0] =	vst.idx.add.s32.msk vm9, v2  }
0x68: {  	v5 =	vnsel vm12, $0x0, v5;
	vm13 =	vlt.s32 v24, v3;
	[tilespmem:v8+s14+$0x0] =	vst.idx.add.f32.msk vm9, v16  }
0x69: {  	vm14 =	vlt.s32 v19, v3;
	v7 =	vadd.f32 v7, v4;
	v4 =	vnsel vm13, $0x0, v16;
	[tilespmem:v62+s13+$0x0] =	vst.idx.add.s32.msk vm4, v2  }
0x6a: {  	v5 =	vadd.f32 v4, v5;
	vm15 =	vlt.s32 v60, v3;
	[tilespmem:v62+s14+$0x0] =	vst.idx.add.f32.msk vm4, v58  }
0x6b: {  	v3 =	vnsel vm14, $0x0, v6;
	v6 =	vnsel vm15, $0x0, v58;
	v4 =	vld [tilespmem:s19+$0x8880]  }
0x6c: {  	v7 =	vadd.f32 v5, v7;
	v3 =	vadd.f32 v6, v3;
	v6 =	vld [tilespmem:s19+$0x8C80]  }
0x6d: {  	v5 =	vld [tilespmem:s19+$0x8080]  }
0x6e: {  	s20 =	simm.s32 $0x40;
	v3 =	vadd.f32 v3, v7;
	v7 =	vld [tilespmem:s19+$0x8480]  }
.LBB2_12:
0x6f: {  	p0 =	sne.s32 s20, $0xFC0  }
.Ltmp5:
0x70: {  	s21 =	sshra.s32 s20, $0x2;
	(pc) =	sbr.rel @p0 .LBB2_12-.Ltmp5, $4  }
0x71: {  	s20 =	sadd.s32 $0x40, s20;
	v8 =	vadd.f32 v6, v4;
	v4 =	vld [tilespmem:s21+$0x8880]  }
0x72: {  	v6 =	vld [tilespmem:s21+$0x8C80]  }
0x73: {  	v9 =	vadd.s32 v5, v7;
	v5 =	vld [tilespmem:s21+$0x8080];
	[tilespmem:s19+$0x8880] =	vst v8  }
0x74: {  	v7 =	vld [tilespmem:s21+$0x8480];
	[tilespmem:s19+$0x8080] =	vst v9;
	s19 =	smov.u32 s21  }
0x75: {  	_ =	sdelay $0x1  }
0x76: {  	v4 =	vadd.f32 v6, v4;
	_ =	sdelay $0x1  }
0x77: {  	v5 =	vadd.s32 v5, v7;
	[tilespmem:s19+$0x8880] =	vst v4  }
0x78: {  	[tilespmem:s19+$0x8080] =	vst v5  }
0x79: {  	[hbm4b:s5+s15] =	stream.strided.scatter [tilespmem:s11], [sflag:$0x1], $0x400, s16, s15, $0x38;
	[tilespmem:$0x9100] =	vst v63  }
0x7a: {  	_ =	swait.ge [sflag:s9], $0x400  }
0x7b: {  	[sflag:s9] =	ssyncset.done $0x0  }
0x7c: {  	[sflag:s9] =	ssyncadd.s32 $0xFFFFFC00  }
0x7d: {  	[hbm4b:s6+s15] =	stream.strided.scatter [tilespmem:s12], [sflag:$0x1], $0x400, s16, s15, $0x38;
	[tilespmem:$0x9100] =	vst v63  }
0x7e: {  	_ =	swait.ge [sflag:s9], $0x400  }
0x7f: {  	[sflag:s9] =	ssyncset.done $0x0  }
0x80: {  	s20 =	simm.s32 $0x0;
	s19 =	simm.s32 $0x40;
	[sflag:s9] =	ssyncadd.s32 $0xFFFFFC00  }
.LBB2_14:
0x81: {  	p0 =	sne.s32 s19, $0x1C0;
	[tilespmem:s20+$0x9080] =	vst v1;
	s20 =	smov.u32 s19;
	s19 =	sadd.s32 $0x40, s19  }
.Ltmp6:
0x82: {  	(pc) =	sbr.rel @p0 .LBB2_14-.Ltmp6, $2  }
0x83: {  	_ =	sdelay $0x2  }
0x84: {  	s20 =	sshra.s32 s20, $0x2  }
0x85: {  	s18 =	sadd.s32 $0x1, s18  }
0x86: {  	[tilespmem:s20+$0x9080] =	vst v1;
	p0 =	sne.s32 s18, s8  }
.Ltmp7:
0x87: {  	[tilespmem:$0x9080] =	vst v3;
	(pc) =	sbr.rel @p0 .LBB2_1-.Ltmp7, $4  }
0x88: {  	[hbm4b:s7+s2] =	stream.linear.scatter [tilespmem:s17], [sflag:$0x1], $0x80, $0x38;
	[tilespmem:$0x9100] =	vst v63  }
0x89: {  	_ =	swait.ge [sflag:s9], $0x80  }
0x8a: {  	[sflag:s9] =	ssyncset.done $0x0  }
0x8b: {  	[sflag:s9] =	ssyncadd.s32 $0xFFFFFF80  }
0x8c: {  	_ =	sfence.sel $0x180000  }
0x8d: {  	[bflag:$0x0] =	sbarrier.arrive $0xFFFF  }
0x8e: {  	p0 =	sne.s32 s0, $0x0;
	_ =	strace $0x9000004D  }
0x8f: {  	s0 =	sadd.s32 @!p0 $0x100000, s1;
	[bflag:$0x2] =	sbarrier.arrive $0xFFFF  }
0x90: {  	[sflag:s0] =	ssyncadd.tile.s32 @!p0 $0x1;
	_ =	shalt  }
.Lfunc_end2:
_tile_overlayer_lowered:
.L_overlay_start_2:
0x91: {  	(tag) =	ssettag $0x2  }
0x92: {  	s0 =	rddreg [dreg:$0x0];
	s2 =	stileid.u32  }
0x93: {  	s1 =	rddreg [dreg:$0x1];
	p0 =	sne.s32 s2, $0x0  }
0x94: {  	s3 =	rddreg [dreg:$0x2];
	[bflag:$0x3] =	sbarrier.arrive $0xFFFF;
	s2 =	simm.s32 @!p0 $0x1C01  }
0x95: {  	[timem:s3], [sflag:s2] =	dma.local @!p0 [hbm:s0], s1  }
0x96: {  	s0 =	simm.s32 @!p0 $0x1  }
0x97: {  	_ =	swait.ge @!p0 [sflag:s0], s1  }
0x98: {  	s1 =	ssub.s32 @!p0 $0x0, s1;
	[sflag:s0] =	ssyncset.done @!p0 $0x0  }
0x99: {  	[sflag:s0] =	ssyncadd.s32 @!p0 s1  }
0x9a: {  	[bflag:$0x3] =	sbarrier.arrive $0xFFFF  }
0x9b: {  	_ =	shalt  }

// kernel: kernel.5.cloned.1.call-start
scs
__scs_entry_jumppad:
0x0: {  	(pc) =	sbr.rel $0x88, $3  }
0x1: {  	(tag) =	ssettag $0x0;
	lr =	simm.s32 $0x1  }
0x2: {  	[smem:$0x3FA0] =	sst lr;
	_ =	strace $0xD0000000  }
0x3: {  	_ = 	snop  }
0x4: {  	_ = 	snop  }
0x5: {  	_ = 	snop  }
0x6: {  	_ = 	snop  }
0x7: {  	_ = 	snop  }
__scs_overlays_trampoline_lowered:
0x8: {  	[smem:$0x3FAF] =	sst s0  }
0x9: {  	[smem:$0x3FB0] =	sst s1  }
0xa: {  	[smem:$0x3FB1] =	sst s2  }
0xb: {  	[smem:$0x3FB2] =	sst s3  }
0xc: {  	[smem:$0x3FB3] =	sst s4  }
0xd: {  	[smem:$0x3FB4] =	sst s5  }
0xe: {  	[smem:$0x3FB5] =	sst s6  }
0xf: {  	[smem:$0x3FB6] =	sst s7  }
0x10: {  	[smem:$0x3FB7] =	sst s8  }
0x11: {  	[smem:$0x3FB8] =	sst s9;
	s0 =	simm.s32 @!p0 $0x0  }
0x12: {  	s1 =	sld [smem:$0x3F9E];
	s0 =	simm.s32 @p0 $0x1  }
0x13: {  	[smem:$0x3FB9] =	sst s0;
	s0 =	simm.s32 @!p1 $0x0  }
0x14: {  	s2 =	sld [smem:$0x3F9D];
	s0 =	simm.s32 @p1 $0x1  }
0x15: {  	[smem:$0x3FBA] =	sst s0;
	s0 =	simm.s32 @!p2 $0x0  }
0x16: {  	s3 =	sld [smem:$0x3FDB];
	s0 =	simm.s32 @p2 $0x1  }
0x17: {  	s4 =	simm.s32 $0x1BF5;
	[smem:$0x3FBC] =	sst s0  }
0x18: {  	s0 =	sld [smem:$0x3F9F];
	_ =	swait.ge [sflag:s4], $0x0  }
0x19: {  	s7 =	sld [smem:$0x3FA0]  }
0x1a: {  	s8 =	sadd.s32 $0xFFFFE003, lr  }
0x1b: {  	s9 =	sadd.s32 $0xFFFFFEF7, lr;
	s5 =	simm.s32 $0xFFFFFFFF;
	p2 =	slt.u32 s8, $0xFFFFF086  }
0x1c: {  	p1 =	slt.u32 s9, $0xF7A;
	s5 =	simm.s32 @!p2 $0x0  }
0x1d: {  	s5 =	simm.s32 @p1 $0x1;
	p0 =	seq.s32 s7, s2  }
0x1e: {  	s7 =	smul.u32 @!p0 $0xF7A, s2;
	p2 =	seq.s32 @!p0 s5, $0x0  }
0x1f: {  	s9 =	smul.u32 $0xF7A, s1;
	s8 =	simm.s32 @!p0 $0x1BF5;
	p2 =	por !p2, p0  }
0x20: {  	[sflag:s8] =	ssyncset.s32 @!p0 $0xFFFFF086;
	s6 =	sadd.s32 @!p0 s3, s7;
	s7 =	simm.s32 @!p0 $0x108  }
0x21: {  	s3 =	sadd.s32 s3, s9;
	s6 =	sadd.s32 @!p0 $0x88, s6;
	s7 =	simm.s32 @p2 $0x1082  }
0x22: {  	[simem:s7], [sflag:s8] =	dma.local @!p0 [hbm:s6], $0xF7A  }
0x23: {  	s9 =	sor.u32 $0xD0000000, s2;
	s6 =	simm.s32 $0x108;
	_ =	swait.ge @!p0 [sflag:s8], $0x0  }
0x24: {  	s3 =	sadd.s32 $0x88, s3;
	s6 =	simm.s32 @!p1 $0x1082;
	[sflag:s4] =	ssyncset.s32 $0xFFFFF086  }
0x25: {  	[simem:s6], [sflag:s4] =	dma.local [hbm:s3], $0xF7A  }
0x26: {  	[smem:$0x3FA0] =	sst s1;
	(tag) =	ssettag s2;
	_ =	strace s9  }
0x27: {  	s1 =	sld [smem:$0x3FB0]  }
0x28: {  	s2 =	sld [smem:$0x3FB1]  }
0x29: {  	s4 =	sld [smem:$0x3FB3]  }
0x2a: {  	p0 =	seq.s32 s5, $0x0;
	s5 =	sld [smem:$0x3FB4]  }
0x2b: {  	s6 =	sld [smem:$0x3FB5]  }
0x2c: {  	s7 =	sld [smem:$0x3FB6]  }
0x2d: {  	s3 =	simm.s32 $0x108;
	s8 =	sld [smem:$0x3FB7]  }
0x2e: {  	s3 =	simm.s32 @!p0 $0x1082;
	s9 =	sld [smem:$0x3FB8]  }
0x2f: {  	lr =	sadd.s32 s0, s3;
	s0 =	sld [smem:$0x3FAF]  }
0x30: {  	s3 =	sld [smem:$0x3FB2]  }
0x31: {  	[smem:$0x3FBB] =	sst s10  }
0x32: {  	s10 =	sld [smem:$0x3FB9];
	_ =	sdelay $0x3  }
0x33: {  	p0 =	seq.s32 s10, $0x1;
	s10 =	sld [smem:$0x3FBB];
	_ =	sdelay $0x3  }
0x34: {  	[smem:$0x3FBB] =	sst s10  }
0x35: {  	s10 =	sld [smem:$0x3FBA];
	_ =	sdelay $0x3  }
0x36: {  	p1 =	seq.s32 s10, $0x1;
	s10 =	sld [smem:$0x3FBB];
	_ =	sdelay $0x3  }
0x37: {  	[smem:$0x3FBB] =	sst s10  }
0x38: {  	s10 =	sld [smem:$0x3FBC]  }
0x39: {  	_ = 	snop;
	(pc) =	sbr.ind lr, $3  }
0x3a: {  	_ = 	snop  }
0x3b: {  	_ = 	snop  }
0x3c: {  	p2 =	seq.s32 s10, $0x1;
	s10 =	sld [smem:$0x3FBB]  }
0x3d: {  	_ =	shalt  }
0x3e: {  	_ =	shalt  }
0x3f: {  	_ =	shalt  }
0x40: {  	_ =	shalt  }
0x41: {  	_ =	shalt  }
0x42: {  	_ =	shalt  }
0x43: {  	_ =	shalt  }
0x44: {  	_ =	shalt  }
0x45: {  	_ =	shalt  }
0x46: {  	_ =	shalt  }
0x47: {  	_ =	shalt  }
0x48: {  	_ =	shalt  }
0x49: {  	_ =	shalt  }
0x4a: {  	_ =	shalt  }
0x4b: {  	_ =	shalt  }
0x4c: {  	_ =	shalt  }
0x4d: {  	_ =	shalt  }
0x4e: {  	_ =	shalt  }
0x4f: {  	_ =	shalt  }
0x50: {  	_ =	shalt  }
0x51: {  	_ =	shalt  }
0x52: {  	_ =	shalt  }
0x53: {  	_ =	shalt  }
0x54: {  	_ =	shalt  }
0x55: {  	_ =	shalt  }
0x56: {  	_ =	shalt  }
0x57: {  	_ =	shalt  }
0x58: {  	_ =	shalt  }
0x59: {  	_ =	shalt  }
0x5a: {  	_ =	shalt  }
0x5b: {  	_ =	shalt  }
0x5c: {  	_ =	shalt  }
0x5d: {  	_ =	shalt  }
0x5e: {  	_ =	shalt  }
0x5f: {  	_ =	shalt  }
0x60: {  	_ =	shalt  }
0x61: {  	_ =	shalt  }
0x62: {  	_ =	shalt  }
0x63: {  	_ =	shalt  }
0x64: {  	_ =	shalt  }
0x65: {  	_ =	shalt  }
0x66: {  	_ =	shalt  }
0x67: {  	_ =	shalt  }
0x68: {  	_ =	shalt  }
0x69: {  	_ =	shalt  }
0x6a: {  	_ =	shalt  }
0x6b: {  	_ =	shalt  }
0x6c: {  	_ =	shalt  }
0x6d: {  	_ =	shalt  }
0x6e: {  	_ =	shalt  }
0x6f: {  	_ =	shalt  }
0x70: {  	_ =	shalt  }
0x71: {  	_ =	shalt  }
0x72: {  	_ =	shalt  }
0x73: {  	_ =	shalt  }
0x74: {  	_ =	shalt  }
0x75: {  	_ =	shalt  }
0x76: {  	_ =	shalt  }
0x77: {  	_ =	shalt  }
0x78: {  	_ =	shalt  }
0x79: {  	_ =	shalt  }
0x7a: {  	_ =	shalt  }
0x7b: {  	_ =	shalt  }
0x7c: {  	_ =	shalt  }
0x7d: {  	_ =	shalt  }
0x7e: {  	_ =	shalt  }
0x7f: {  	_ =	shalt  }
0x80: {  	_ =	shalt  }
0x81: {  	_ =	shalt  }
0x82: {  	_ =	shalt  }
0x83: {  	_ =	shalt  }
0x84: {  	_ =	shalt  }
0x85: {  	_ =	shalt  }
0x86: {  	_ =	shalt  }
0x87: {  	_ =	shalt  }
.Lfunc_end0:
.L_simem_size_0:
called_computation_lowered:
.L_overlay_start_0:
0x88: {  	s2 =	sld [smem:$0x3FD9]  }
0x89: {  	s3 =	sld [smem:$0x3FFE];
	_ =	sdelay $0x1  }
0x8a: {  	s1 =	srdreg.scid  }
0x8b: {  	s0 =	sand.u32 $0x1, s1  }
0x8c: {  	s17 =	sshll.u32 s0, $0xA;
	s2 =	sadd.s32 s3, s2  }
0x8d: {  	s2 =	sadd.s32 s2, s17  }
0x8e: {  	[smem:$0x3FC7] =	sst s2  }
0x8f: {  	_ = 	snop  }
0x90: {  	s2 =	sld [smem:$0x3FC9];
	(tm) =	ssettm $0x1  }
0x91: {  	s18 =	sld [smem:$0x3FFB];
	_ =	sdelay $0x3  }
0x92: {  	_ =	strace s18  }
0x93: {  	s3 =	sld [smem:$0x3FFC];
	_ =	sdelay $0x3  }
0x94: {  	_ =	strace s3  }
0x95: {  	s3 =	sld [smem:$0x3FFD];
	_ =	sdelay $0x3  }
0x96: {  	_ =	strace s3  }
0x97: {  	_ =	strace $0x8FFFFFFF  }
0x98: {  	s19 =	sld [smem:$0x3FDB];
	_ =	sdelay $0x1  }
0x99: {  	s4 =	simm.s32 $_scs_section_size  }
0x9a: {  	s5 =	simm.s32 $_size__tile_overlayer_lowered;
	s6 =	simm.s32 $_tile_overlayer_lowered  }
0x9b: {  	s22 =	simm.s32 $0x1BFF;
	s21 =	sshll.u32 s6, $0x1;
	s3 =	sadd.s32 s4, s19  }
0x9c: {  	s7 =	simm.s32 $0x0;
	s20 =	sshll.u32 s5, $0x1;
	s5 =	sadd.s32 s21, s3  }
0x9d: {  	[timem:s7], [sflag:s22] =	dma.local [hbm:s5], s20  }
0x9e: {  	_ =	swait.ge [sflag:s22], s20  }
0x9f: {  	s4 =	ssub.s32 $0x0, s20;
	[sflag:s22] =	ssyncset.done $0x0  }
0xa0: {  	[sflag:s22] =	ssyncadd.s32 s4;
	_ =	sdelay $0x1  }
0xa1: {  	s23 =	simm.s32 $0x1B8B  }
0xa2: {  	_ =	swait.ge [sflag:s23], $0x1  }
0xa3: {  	[sflag:s23] =	ssyncset.done $0x0  }
0xa4: {  	s25 =	simm.s32 $0x1B8E;
	s24 =	sld [smem:$0x3FFE];
	[sflag:s23] =	ssyncadd.s32 $0xFFFFFFFF  }
0xa5: {  	s26 =	simm.s32 $execute0_lowered;
	[smem:$0x3FD2] =	sst s25  }
0xa6: {  	s5 =	sshll.u32 s26, $0x1;
	_ =	strace $0x80000046;
	[dreg:$0x1] =	wrdreg $0xFFFFFFFF  }
0xa7: {  	s28 =	simm.s32 $_size_execute0_lowered;
	s3 =	sadd.s32 s3, s5;
	[dreg:$0x0] =	wrdreg $0x0  }
0xa8: {  	s5 =	sshll.u32 s28, $0x1;
	[dreg:$0x2] =	wrdreg s3  }
0xa9: {  	[dreg:$0x3] =	wrdreg s5  }
0xaa: {  	[dreg:$0x4] =	wrdreg $0xC0  }
0xab: {  	_ =	task [dreg:s7], $0x5FFFF  }
0xac: {  	[dreg:$0x1] =	wrdreg $0xFFFFFFFF  }
0xad: {  	[dreg:$0x0] =	wrdreg $0x60  }
0xae: {  	[dreg:$0x2] =	wrdreg s2  }
0xaf: {  	[dreg:$0x3] =	wrdreg s24  }
0xb0: {  	[dreg:$0x4] =	wrdreg $0x9  }
0xb1: {  	_ =	task.clear_ibuf [dreg:s7], $0x5FFFF;
	_ =	strace $0x90000046  }
0xb2: {  	s29 =	simm.s32 $0x9;
	_ =	strace $0x80000048  }
0xb3: {  	_ =	swait.ge [sflag:s29], $0x1  }
0xb4: {  	[sflag:s29] =	ssyncadd.s32 $0xFFFFFFFF  }
0xb5: {  	_ =	strace $0x90000048  }
0xb6: {  	_ =	sfence  }
0xb7: {  	s30 =	sld [smem:$0x0];
	_ =	sdelay $0x2  }
0xb8: {  	s31 =	sshll.u32 s1, $0xD;
	s1 =	sshrl.u32 s1, $0x2  }
0xb9: {  	s3 =	sand.u32 $0x4000, s31;
	s1 =	sadd.s32 s1, s30  }
0xba: {  	s0 =	sor.u32 s3, s0;
	s1 =	sshll.u32 s1, $0x11  }
0xbb: {  	s0 =	sor.u32 s1, s0  }
0xbc: {  	s0 =	sadd.s32 $0x8F2B, s0  }
0xbd: {  	[sflag:s0] =	ssyncadd.remote.s32 $0x1  }
0xbe: {  	_ =	sfence.sel $0xFFFF  }
0xbf: {  	[dreg:$0x0] =	wrdreg $0xFFFFFFFF;
	(pc) =	sbr.abs _section_cstart, $3  }
0xc0: {  	[dreg:$0x1] =	wrdreg $0xFFFFFFFF  }
0xc1: {  	_ =	task.clear_ibuf [dreg:s7], $0x2FFFF;
	_ =	strace $0x9FFFFFFF  }
0xc2: {  	(tm) =	ssettm $0x7FFFFFFF  }
0xc3: {  	_ =	shalt  }
tec
execute0_lowered:
.L_overlay_start_1:
0x0: {  	(tag) =	ssettag $0x1  }
0x1: {  	s3 =	rddreg [dreg:$0x0]  }
0x2: {  	s4 =	rddreg [dreg:$0x1]  }
0x3: {  	s0 =	rddreg [dreg:$0x2];
	s2 =	simm.s32 $0x0;
	s5 =	srdreg.scid  }
0x4: {  	s1 =	stileid.u32;
	s9 =	simm.s32 $0x80;
	s10 =	simm.s32 $0x400  }
0x5: {  	s11 =	simm.s32 $0x0;
	[smem:$0x7FF] =	sst s2;
	s5 =	sand.u32 $0x1, s5  }
0x6: {  	s7 =	sshll.u32 s1, $0x1;
	s30 =	sshll.u32 s1, $0x9;
	_ =	strace $0x80000047  }
0x7: {  	s6 =	ssub.s32 $0x2, s5;
	s5 =	sor.u32 s5, s7;
	s7 =	sand.u32 $0x1800, s30  }
0x8: {  	s8 =	sshrl.u32 s6, $0x1;
	s31 =	sshll.u32 s5, $0x4;
	s5 =	sshll.u32 s5, $0xC  }
0x9: {  	s4 =	sadd.s32 s4, s7;
	s6 =	ssub.s32 s6, s8;
	s8 =	sand.u32 $0x70, s31  }
0xa: {  	s7 =	simm.s32 $0x8000;
	s3 =	sadd.s32 s3, s5;
	s4 =	sadd.s32 s8, s4  }
0xb: {  	v0 =	vimm.s32 $0x0;
	v1 =	vimm.s32 $0x1;
	s5 =	smax.u32 s6, $0x1;
	s6 =	simm.s32 $0x1;
	s8 =	simm.s32 $0x8800  }
.LBB2_1:
0xc: {  	[tilespmem:s2], [sflag:$0x1] =	stream.linear.gather [hbm4b:s3+s2], $0x8000, $0x38;
	[tilespmem:$0x9000] =	vst v63  }
0xd: {  	_ =	swait.ge [sflag:s6], $0x8000  }
0xe: {  	[sflag:s6] =	ssyncset.done $0x0  }
0xf: {  	s12 =	simm.s32 $0x40;
	s13 =	simm.s32 $0x0;
	[sflag:s6] =	ssyncadd.s32 $0xFFFF8000  }
.LBB2_2:
0x10: {  	p0 =	sne.s32 s12, $0x1FC0;
	[tilespmem:s13+$0x8000] =	vst v0;
	s13 =	smov.u32 s12;
	s12 =	sadd.s32 $0x40, s12  }
.Ltmp0:
0x11: {  	(pc) =	sbr.rel @p0 .LBB2_2-.Ltmp0, $2  }
0x12: {  	_ =	sdelay $0x2  }
0x13: {  	s13 =	sshra.s32 s13, $0x2  }
0x14: {  	[tilespmem:s13+$0x8000] =	vst v0;
	s12 =	simm.s32 $0x40;
	s13 =	simm.s32 $0x0  }
.LBB2_4:
0x15: {  	p0 =	sne.s32 s12, $0x1FC0;
	[tilespmem:s13+$0x8800] =	vst v0;
	s13 =	smov.u32 s12;
	s12 =	sadd.s32 $0x40, s12  }
.Ltmp1:
0x16: {  	(pc) =	sbr.rel @p0 .LBB2_4-.Ltmp1, $2  }
0x17: {  	_ =	sdelay $0x2  }
0x18: {  	s13 =	sshra.s32 s13, $0x2  }
0x19: {  	[tilespmem:s13+$0x8800] =	vst v0;
	s31 =	simm.s32 $0x0  }
0x1a: {  	v2 =	vld [tilespmem:s31+$0x0];
	_ =	sdelay $0x4  }
0x1b: {  	v3 =	vshra.s32 v2, $0x1F  }
0x1c: {  	s15 =	simm.s32 $0x20;
	v3 =	vor.u32 $0x80000000, v3  }
0x1d: {  	v2 =	vxor.u32 v2, v3;
	v3 =	vld [tilespmem:s15+$0x0]  }
0x1e: {  	v2 =	vshrl.u32 v2, $0x15;
	_ =	sdelay $0x2  }
0x1f: {  	s12 =	simm.s32 $0x40  }
0x20: {  	v4 =	vld [tilespmem:s12+$0x0];
	v5 =	vshra.s32 v3, $0x1F  }
0x21: {  	[tilespmem:v2+s7+$0x0] =	vst.idx.add.s32.msk $0xffff, v1;
	v2 =	vor.u32 $0x80000000, v5  }
0x22: {  	v5 =	vld [tilespmem:s31+$0x10];
	v2 =	vxor.u32 v3, v2  }
0x23: {  	v2 =	vshrl.u32 v2, $0x15;
	_ =	sdelay $0x2  }
0x24: {  	s13 =	simm.s32 $0x60;
	v6 =	vshra.s32 v4, $0x1F  }
0x25: {  	v6 =	vor.u32 $0x80000000, v6;
	v3 =	vld [tilespmem:s13+$0x0];
	v7 =	vshra.s32 v5, $0x1F  }
0x26: {  	v4 =	vxor.u32 v4, v6;
	v7 =	vor.u32 $0x80000000, v7;
	[tilespmem:v2+s7+$0x0] =	vst.idx.add.s32.msk $0xffff, v1  }
0x27: {  	v2 =	vxor.u32 v5, v7;
	v5 =	vshrl.u32 v4, $0x15;
	v4 =	vld [tilespmem:s15+$0x10];
	_ =	sdelay $0x1  }
0x28: {  	s14 =	simm.s32 $0x200;
	v2 =	vshrl.u32 v2, $0x15  }
.LBB2_6:
0x29: {  	s15 =	sshra.s32 s14, $0x2;
	p0 =	sne.s32 s14, $0x1FF80;
	s14 =	sadd.s32 $0x80, s14;
	v6 =	vshra.s32 v3, $0x1F;
	v7 =	vmov v3  }
.Ltmp2:
0x2a: {  	v3 =	vld [tilespmem:s15+$0x0];
	v6 =	vor.u32 $0x80000000, v6;
	(pc) =	sbr.rel @p0 .LBB2_6-.Ltmp2, $4  }
0x2b: {  	v6 =	vxor.u32 v7, v6;
	[tilespmem:v5+s7+$0x0] =	vst.idx.add.s32.msk $0xffff, v1;
	v7 =	vshra.s32 v4, $0x1F;
	v8 =	vmov v4  }
0x2c: {  	v5 =	vshrl.u32 v6, $0x15;
	v4 =	vld [tilespmem:s12+$0x10];
	v6 =	vor.u32 $0x80000000, v7;
	s12 =	smov.u32 s13;
	s13 =	smov.u32 s15  }
0x2d: {  	v6 =	vxor.u32 v8, v6;
	[tilespmem:v2+s8+$0x0] =	vst.idx.add.s32.msk $0xffff, v1  }
0x2e: {  	v2 =	vshrl.u32 v6, $0x15  }
0x2f: {  	v6 =	vshra.s32 v3, $0x1F  }
0x30: {  	v6 =	vor.u32 $0x80000000, v6  }
0x31: {  	v3 =	vxor.u32 v3, v6  }
0x32: {  	v3 =	vshrl.u32 v3, $0x15;
	_ =	sdelay $0x2  }
0x33: {  	[tilespmem:v5+s7+$0x0] =	vst.idx.add.s32.msk $0xffff, v1  }
0x34: {  	v5 =	vld [tilespmem:s12+$0x10]  }
0x35: {  	[tilespmem:v3+s7+$0x0] =	vst.idx.add.s32.msk $0xffff, v1  }
0x36: {  	v3 =	vld [tilespmem:s13+$0x10];
	_ =	sdelay $0x2  }
0x37: {  	v60 =	vshra.s32 v4, $0x1F  }
0x38: {  	v6 =	vor.u32 $0x80000000, v60;
	v7 =	vshra.s32 v5, $0x1F  }
0x39: {  	v4 =	vxor.u32 v4, v6;
	v61 =	vor.u32 $0x80000000, v7;
	v62 =	vshra.s32 v3, $0x1F  }
0x3a: {  	v4 =	vshrl.u32 v4, $0x15;
	v5 =	vxor.u32 v5, v61;
	v63 =	vor.u32 $0x80000000, v62  }
0x3b: {  	v5 =	vshrl.u32 v5, $0x15;
	v3 =	vxor.u32 v3, v63  }
0x3c: {  	v3 =	vshrl.u32 v3, $0x15;
	_ =	sdelay $0x1  }
0x3d: {  	[tilespmem:v2+s8+$0x0] =	vst.idx.add.s32.msk $0xffff, v1  }
0x3e: {  	[tilespmem:v4+s8+$0x0] =	vst.idx.add.s32.msk $0xffff, v1  }
0x3f: {  	[tilespmem:v5+s8+$0x0] =	vst.idx.add.s32.msk $0xffff, v1  }
0x40: {  	s12 =	simm.s32 $0x0;
	[tilespmem:v3+s8+$0x0] =	vst.idx.add.s32.msk $0xffff, v1  }
0x41: {  	v2 =	vld [tilespmem:s12+$0x8000]  }
0x42: {  	s13 =	simm.s32 $0x40;
	v3 =	vld [tilespmem:s12+$0x8800]  }
.LBB2_8:
0x43: {  	p0 =	sne.s32 s13, $0x1FC0  }
.Ltmp3:
0x44: {  	_ = 	snop;
	(pc) =	sbr.rel @p0 .LBB2_8-.Ltmp3, $4  }
0x45: {  	_ = 	snop  }
0x46: {  	s14 =	sshra.s32 s13, $0x2  }
0x47: {  	s13 =	sadd.s32 $0x40, s13;
	v4 =	vadd.s32 v2, v3;
	v2 =	vld [tilespmem:s14+$0x8000]  }
0x48: {  	v3 =	vld [tilespmem:s14+$0x8800];
	[tilespmem:s12+$0x8000] =	vst v4;
	s12 =	smov.u32 s14  }
0x49: {  	_ =	sdelay $0x2  }
0x4a: {  	s11 =	sadd.s32 $0x1, s11  }
0x4b: {  	p0 =	sne.s32 s11, s5;
	v2 =	vadd.s32 v2, v3  }
.Ltmp4:
0x4c: {  	[tilespmem:s12+$0x8000] =	vst v2;
	(pc) =	sbr.rel @p0 .LBB2_1-.Ltmp4, $4  }
0x4d: {  	[hbm4b:s4+s9] =	stream.strided.scatter [tilespmem:s7], [sflag:$0x1], $0x800, s10, s9, $0x38;
	[tilespmem:$0x9000] =	vst v63  }
0x4e: {  	_ =	swait.ge [sflag:s6], $0x800  }
0x4f: {  	[sflag:s6] =	ssyncset.done $0x0  }
0x50: {  	[sflag:s6] =	ssyncadd.s32 $0xFFFFF800  }
0x51: {  	_ =	sfence.sel $0x180000  }
0x52: {  	[bflag:$0x0] =	sbarrier.arrive $0xFFFF  }
0x53: {  	p0 =	sne.s32 s1, $0x0;
	_ =	strace $0x90000047  }
0x54: {  	s0 =	sadd.s32 @!p0 $0x100000, s0;
	[bflag:$0x2] =	sbarrier.arrive $0xFFFF  }
0x55: {  	[sflag:s0] =	ssyncadd.tile.s32 @!p0 $0x1;
	_ =	shalt  }
.Lfunc_end2:
_tile_overlayer_lowered:
.L_overlay_start_2:
0x56: {  	(tag) =	ssettag $0x2  }
0x57: {  	s0 =	rddreg [dreg:$0x0];
	s2 =	stileid.u32  }
0x58: {  	s1 =	rddreg [dreg:$0x1];
	p0 =	sne.s32 s2, $0x0  }
0x59: {  	s3 =	rddreg [dreg:$0x2];
	[bflag:$0x3] =	sbarrier.arrive $0xFFFF;
	s2 =	simm.s32 @!p0 $0x1C01  }
0x5a: {  	[timem:s3], [sflag:s2] =	dma.local @!p0 [hbm:s0], s1  }
0x5b: {  	s0 =	simm.s32 @!p0 $0x1  }
0x5c: {  	_ =	swait.ge @!p0 [sflag:s0], s1  }
0x5d: {  	s1 =	ssub.s32 @!p0 $0x0, s1;
	[sflag:s0] =	ssyncset.done @!p0 $0x0  }
0x5e: {  	[sflag:s0] =	ssyncadd.s32 @!p0 s1  }
0x5f: {  	[bflag:$0x3] =	sbarrier.arrive $0xFFFF  }
0x60: {  	_ =	shalt  }

// kernel: kernel.8.cloned.1.call-start
scs
__scs_entry_jumppad:
0x0: {  	(pc) =	sbr.rel $0x88, $3  }
0x1: {  	(tag) =	ssettag $0x0;
	lr =	simm.s32 $0x1  }
0x2: {  	[smem:$0x3FA0] =	sst lr;
	_ =	strace $0xD0000000  }
0x3: {  	_ = 	snop  }
0x4: {  	_ = 	snop  }
0x5: {  	_ = 	snop  }
0x6: {  	_ = 	snop  }
0x7: {  	_ = 	snop  }
__scs_overlays_trampoline_lowered:
0x8: {  	[smem:$0x3FAF] =	sst s0  }
0x9: {  	[smem:$0x3FB0] =	sst s1  }
0xa: {  	[smem:$0x3FB1] =	sst s2  }
0xb: {  	[smem:$0x3FB2] =	sst s3  }
0xc: {  	[smem:$0x3FB3] =	sst s4  }
0xd: {  	[smem:$0x3FB4] =	sst s5  }
0xe: {  	[smem:$0x3FB5] =	sst s6  }
0xf: {  	[smem:$0x3FB6] =	sst s7  }
0x10: {  	[smem:$0x3FB7] =	sst s8  }
0x11: {  	[smem:$0x3FB8] =	sst s9;
	s0 =	simm.s32 @!p0 $0x0  }
0x12: {  	s1 =	sld [smem:$0x3F9E];
	s0 =	simm.s32 @p0 $0x1  }
0x13: {  	[smem:$0x3FB9] =	sst s0;
	s0 =	simm.s32 @!p1 $0x0  }
0x14: {  	s2 =	sld [smem:$0x3F9D];
	s0 =	simm.s32 @p1 $0x1  }
0x15: {  	[smem:$0x3FBA] =	sst s0;
	s0 =	simm.s32 @!p2 $0x0  }
0x16: {  	s3 =	sld [smem:$0x3FDB];
	s0 =	simm.s32 @p2 $0x1  }
0x17: {  	s4 =	simm.s32 $0x1BF5;
	[smem:$0x3FBC] =	sst s0  }
0x18: {  	s0 =	sld [smem:$0x3F9F];
	_ =	swait.ge [sflag:s4], $0x0  }
0x19: {  	s7 =	sld [smem:$0x3FA0]  }
0x1a: {  	s8 =	sadd.s32 $0xFFFFE003, lr  }
0x1b: {  	s9 =	sadd.s32 $0xFFFFFEF7, lr;
	s5 =	simm.s32 $0xFFFFFFFF;
	p2 =	slt.u32 s8, $0xFFFFF086  }
0x1c: {  	p1 =	slt.u32 s9, $0xF7A;
	s5 =	simm.s32 @!p2 $0x0  }
0x1d: {  	s5 =	simm.s32 @p1 $0x1;
	p0 =	seq.s32 s7, s2  }
0x1e: {  	s7 =	smul.u32 @!p0 $0xF7A, s2;
	p2 =	seq.s32 @!p0 s5, $0x0  }
0x1f: {  	s9 =	smul.u32 $0xF7A, s1;
	s8 =	simm.s32 @!p0 $0x1BF5;
	p2 =	por !p2, p0  }
0x20: {  	[sflag:s8] =	ssyncset.s32 @!p0 $0xFFFFF086;
	s6 =	sadd.s32 @!p0 s3, s7;
	s7 =	simm.s32 @!p0 $0x108  }
0x21: {  	s3 =	sadd.s32 s3, s9;
	s6 =	sadd.s32 @!p0 $0x88, s6;
	s7 =	simm.s32 @p2 $0x1082  }
0x22: {  	[simem:s7], [sflag:s8] =	dma.local @!p0 [hbm:s6], $0xF7A  }
0x23: {  	s9 =	sor.u32 $0xD0000000, s2;
	s6 =	simm.s32 $0x108;
	_ =	swait.ge @!p0 [sflag:s8], $0x0  }
0x24: {  	s3 =	sadd.s32 $0x88, s3;
	s6 =	simm.s32 @!p1 $0x1082;
	[sflag:s4] =	ssyncset.s32 $0xFFFFF086  }
0x25: {  	[simem:s6], [sflag:s4] =	dma.local [hbm:s3], $0xF7A  }
0x26: {  	[smem:$0x3FA0] =	sst s1;
	(tag) =	ssettag s2;
	_ =	strace s9  }
0x27: {  	s1 =	sld [smem:$0x3FB0]  }
0x28: {  	s2 =	sld [smem:$0x3FB1]  }
0x29: {  	s4 =	sld [smem:$0x3FB3]  }
0x2a: {  	p0 =	seq.s32 s5, $0x0;
	s5 =	sld [smem:$0x3FB4]  }
0x2b: {  	s6 =	sld [smem:$0x3FB5]  }
0x2c: {  	s7 =	sld [smem:$0x3FB6]  }
0x2d: {  	s3 =	simm.s32 $0x108;
	s8 =	sld [smem:$0x3FB7]  }
0x2e: {  	s3 =	simm.s32 @!p0 $0x1082;
	s9 =	sld [smem:$0x3FB8]  }
0x2f: {  	lr =	sadd.s32 s0, s3;
	s0 =	sld [smem:$0x3FAF]  }
0x30: {  	s3 =	sld [smem:$0x3FB2]  }
0x31: {  	[smem:$0x3FBB] =	sst s10  }
0x32: {  	s10 =	sld [smem:$0x3FB9];
	_ =	sdelay $0x3  }
0x33: {  	p0 =	seq.s32 s10, $0x1;
	s10 =	sld [smem:$0x3FBB];
	_ =	sdelay $0x3  }
0x34: {  	[smem:$0x3FBB] =	sst s10  }
0x35: {  	s10 =	sld [smem:$0x3FBA];
	_ =	sdelay $0x3  }
0x36: {  	p1 =	seq.s32 s10, $0x1;
	s10 =	sld [smem:$0x3FBB];
	_ =	sdelay $0x3  }
0x37: {  	[smem:$0x3FBB] =	sst s10  }
0x38: {  	s10 =	sld [smem:$0x3FBC]  }
0x39: {  	_ = 	snop;
	(pc) =	sbr.ind lr, $3  }
0x3a: {  	_ = 	snop  }
0x3b: {  	_ = 	snop  }
0x3c: {  	p2 =	seq.s32 s10, $0x1;
	s10 =	sld [smem:$0x3FBB]  }
0x3d: {  	_ =	shalt  }
0x3e: {  	_ =	shalt  }
0x3f: {  	_ =	shalt  }
0x40: {  	_ =	shalt  }
0x41: {  	_ =	shalt  }
0x42: {  	_ =	shalt  }
0x43: {  	_ =	shalt  }
0x44: {  	_ =	shalt  }
0x45: {  	_ =	shalt  }
0x46: {  	_ =	shalt  }
0x47: {  	_ =	shalt  }
0x48: {  	_ =	shalt  }
0x49: {  	_ =	shalt  }
0x4a: {  	_ =	shalt  }
0x4b: {  	_ =	shalt  }
0x4c: {  	_ =	shalt  }
0x4d: {  	_ =	shalt  }
0x4e: {  	_ =	shalt  }
0x4f: {  	_ =	shalt  }
0x50: {  	_ =	shalt  }
0x51: {  	_ =	shalt  }
0x52: {  	_ =	shalt  }
0x53: {  	_ =	shalt  }
0x54: {  	_ =	shalt  }
0x55: {  	_ =	shalt  }
0x56: {  	_ =	shalt  }
0x57: {  	_ =	shalt  }
0x58: {  	_ =	shalt  }
0x59: {  	_ =	shalt  }
0x5a: {  	_ =	shalt  }
0x5b: {  	_ =	shalt  }
0x5c: {  	_ =	shalt  }
0x5d: {  	_ =	shalt  }
0x5e: {  	_ =	shalt  }
0x5f: {  	_ =	shalt  }
0x60: {  	_ =	shalt  }
0x61: {  	_ =	shalt  }
0x62: {  	_ =	shalt  }
0x63: {  	_ =	shalt  }
0x64: {  	_ =	shalt  }
0x65: {  	_ =	shalt  }
0x66: {  	_ =	shalt  }
0x67: {  	_ =	shalt  }
0x68: {  	_ =	shalt  }
0x69: {  	_ =	shalt  }
0x6a: {  	_ =	shalt  }
0x6b: {  	_ =	shalt  }
0x6c: {  	_ =	shalt  }
0x6d: {  	_ =	shalt  }
0x6e: {  	_ =	shalt  }
0x6f: {  	_ =	shalt  }
0x70: {  	_ =	shalt  }
0x71: {  	_ =	shalt  }
0x72: {  	_ =	shalt  }
0x73: {  	_ =	shalt  }
0x74: {  	_ =	shalt  }
0x75: {  	_ =	shalt  }
0x76: {  	_ =	shalt  }
0x77: {  	_ =	shalt  }
0x78: {  	_ =	shalt  }
0x79: {  	_ =	shalt  }
0x7a: {  	_ =	shalt  }
0x7b: {  	_ =	shalt  }
0x7c: {  	_ =	shalt  }
0x7d: {  	_ =	shalt  }
0x7e: {  	_ =	shalt  }
0x7f: {  	_ =	shalt  }
0x80: {  	_ =	shalt  }
0x81: {  	_ =	shalt  }
0x82: {  	_ =	shalt  }
0x83: {  	_ =	shalt  }
0x84: {  	_ =	shalt  }
0x85: {  	_ =	shalt  }
0x86: {  	_ =	shalt  }
0x87: {  	_ =	shalt  }
.Lfunc_end0:
.L_simem_size_0:
called_computation.1_lowered:
.L_overlay_start_0:
0x88: {  	s2 =	sld [smem:$0x3FD9]  }
0x89: {  	s3 =	sld [smem:$0x3FFE];
	_ =	sdelay $0x1  }
0x8a: {  	s1 =	srdreg.scid  }
0x8b: {  	s0 =	sand.u32 $0x1, s1  }
0x8c: {  	s17 =	sshll.u32 s0, $0xA;
	s2 =	sadd.s32 s3, s2  }
0x8d: {  	s2 =	sadd.s32 s2, s17  }
0x8e: {  	[smem:$0x3FC7] =	sst s2  }
0x8f: {  	_ = 	snop  }
0x90: {  	s2 =	sld [smem:$0x3FC9];
	(tm) =	ssettm $0x1  }
0x91: {  	s18 =	sld [smem:$0x3FFB];
	_ =	sdelay $0x3  }
0x92: {  	_ =	strace s18  }
0x93: {  	s3 =	sld [smem:$0x3FFC];
	_ =	sdelay $0x3  }
0x94: {  	_ =	strace s3  }
0x95: {  	s3 =	sld [smem:$0x3FFD];
	_ =	sdelay $0x3  }
0x96: {  	_ =	strace s3  }
0x97: {  	_ =	strace $0x8FFFFFFF  }
0x98: {  	s19 =	sld [smem:$0x3FDB];
	_ =	sdelay $0x1  }
0x99: {  	s4 =	simm.s32 $_scs_section_size  }
0x9a: {  	s5 =	simm.s32 $_size__tile_overlayer_lowered;
	s6 =	simm.s32 $_tile_overlayer_lowered  }
0x9b: {  	s22 =	simm.s32 $0x1BFF;
	s21 =	sshll.u32 s6, $0x1;
	s3 =	sadd.s32 s4, s19  }
0x9c: {  	s7 =	simm.s32 $0x0;
	s20 =	sshll.u32 s5, $0x1;
	s5 =	sadd.s32 s21, s3  }
0x9d: {  	[timem:s7], [sflag:s22] =	dma.local [hbm:s5], s20  }
0x9e: {  	_ =	swait.ge [sflag:s22], s20  }
0x9f: {  	s4 =	ssub.s32 $0x0, s20;
	[sflag:s22] =	ssyncset.done $0x0  }
0xa0: {  	[sflag:s22] =	ssyncadd.s32 s4;
	_ =	sdelay $0x1  }
0xa1: {  	s23 =	simm.s32 $0x1B8B  }
0xa2: {  	_ =	swait.ge [sflag:s23], $0x1  }
0xa3: {  	[sflag:s23] =	ssyncset.done $0x0  }
0xa4: {  	s25 =	simm.s32 $0x1B8E;
	s24 =	sld [smem:$0x3FFE];
	[sflag:s23] =	ssyncadd.s32 $0xFFFFFFFF  }
0xa5: {  	s26 =	simm.s32 $execute0_lowered;
	[smem:$0x3FD2] =	sst s25  }
0xa6: {  	s5 =	sshll.u32 s26, $0x1;
	_ =	strace $0x80000049;
	[dreg:$0x1] =	wrdreg $0xFFFFFFFF  }
0xa7: {  	s28 =	simm.s32 $_size_execute0_lowered;
	s3 =	sadd.s32 s3, s5;
	[dreg:$0x0] =	wrdreg $0x0  }
0xa8: {  	s5 =	sshll.u32 s28, $0x1;
	[dreg:$0x2] =	wrdreg s3  }
0xa9: {  	[dreg:$0x3] =	wrdreg s5  }
0xaa: {  	[dreg:$0x4] =	wrdreg $0xC0  }
0xab: {  	_ =	task [dreg:s7], $0x5FFFF  }
0xac: {  	[dreg:$0x1] =	wrdreg $0xFFFFFFFF  }
0xad: {  	[dreg:$0x0] =	wrdreg $0x60  }
0xae: {  	[dreg:$0x2] =	wrdreg s2  }
0xaf: {  	[dreg:$0x3] =	wrdreg s24  }
0xb0: {  	[dreg:$0x4] =	wrdreg $0x9  }
0xb1: {  	_ =	task.clear_ibuf [dreg:s7], $0x5FFFF;
	_ =	strace $0x90000049  }
0xb2: {  	s29 =	simm.s32 $0x9;
	_ =	strace $0x8000004B  }
0xb3: {  	_ =	swait.ge [sflag:s29], $0x1  }
0xb4: {  	[sflag:s29] =	ssyncadd.s32 $0xFFFFFFFF  }
0xb5: {  	_ =	strace $0x9000004B  }
0xb6: {  	_ =	sfence  }
0xb7: {  	s30 =	sld [smem:$0x0];
	_ =	sdelay $0x2  }
0xb8: {  	s31 =	sshll.u32 s1, $0xD;
	s1 =	sshrl.u32 s1, $0x2  }
0xb9: {  	s3 =	sand.u32 $0x4000, s31;
	s1 =	sadd.s32 s1, s30  }
0xba: {  	s0 =	sor.u32 s3, s0;
	s1 =	sshll.u32 s1, $0x11  }
0xbb: {  	s0 =	sor.u32 s1, s0  }
0xbc: {  	s0 =	sadd.s32 $0x8F2B, s0  }
0xbd: {  	[sflag:s0] =	ssyncadd.remote.s32 $0x1  }
0xbe: {  	_ =	sfence.sel $0xFFFF  }
0xbf: {  	[dreg:$0x0] =	wrdreg $0xFFFFFFFF;
	(pc) =	sbr.abs _section_cstart, $3  }
0xc0: {  	[dreg:$0x1] =	wrdreg $0xFFFFFFFF  }
0xc1: {  	_ =	task.clear_ibuf [dreg:s7], $0x2FFFF;
	_ =	strace $0x9FFFFFFF  }
0xc2: {  	(tm) =	ssettm $0x7FFFFFFF  }
0xc3: {  	_ =	shalt  }
tec
execute0_lowered:
.L_overlay_start_1:
0x0: {  	(tag) =	ssettag $0x1  }
0x1: {  	s4 =	rddreg [dreg:$0x0]  }
0x2: {  	s5 =	rddreg [dreg:$0x1]  }
0x3: {  	s0 =	rddreg [dreg:$0x2];
	s2 =	simm.s32 $0x0;
	s1 =	stileid.u32  }
0x4: {  	s3 =	srdreg.scid;
	s10 =	simm.s32 $0x8880;
	s11 =	simm.s32 $0x80  }
0x5: {  	s12 =	simm.s32 $0x400;
	s13 =	simm.s32 $0x0;
	[smem:$0x7FF] =	sst s2  }
0x6: {  	s6 =	sshll.u32 s1, $0x9;
	s7 =	sand.u32 $0x1, s3;
	s8 =	sshll.u32 s1, $0x1  }
0x7: {  	s3 =	sadd.s32 $0x200, s5;
	_ =	strace $0x8000004A;
	s6 =	sand.u32 $0x1800, s6  }
0x8: {  	s8 =	sor.u32 s7, s8;
	s30 =	ssub.s32 $0x2, s7;
	s5 =	sadd.s32 s6, s5  }
0x9: {  	s31 =	sshll.u32 s8, $0x4;
	s9 =	sshrl.u32 s30, $0x1;
	s8 =	sshll.u32 s8, $0xC  }
0xa: {  	s7 =	sand.u32 $0x70, s31;
	s6 =	ssub.s32 s30, s9;
	s4 =	sadd.s32 s4, s8  }
0xb: {  	s8 =	simm.s32 $0x8000;
	s9 =	simm.s32 $0x8080;
	s5 =	sadd.s32 s7, s5  }
0xc: {  	v0 =	vimm.s32 $0x0;
	v1 =	vimm.s32 $0x1;
	s6 =	smax.u32 s6, $0x1;
	s7 =	simm.s32 $0x1;
	s5 =	sadd.s32 $0x400, s5  }
.LBB2_1:
0xd: {  	[tilespmem:s2], [sflag:$0x1] =	stream.linear.gather [hbm4b:s4+s2], $0x8000, $0x38;
	[tilespmem:$0x9080] =	vst v63  }
0xe: {  	_ =	swait.ge [sflag:s7], $0x8000  }
0xf: {  	[sflag:s7] =	ssyncset.done $0x0  }
0x10: {  	[sflag:s7] =	ssyncadd.s32 $0xFFFF8000  }
0x11: {  	[tilespmem:s8], [sflag:$0x1] =	stream.linear.gather [hbm4b:s3+s2], $0x80, $0x38;
	[tilespmem:$0x9080] =	vst v63  }
0x12: {  	_ =	swait.ge [sflag:s7], $0x80  }
0x13: {  	[sflag:s7] =	ssyncset.done $0x0  }
0x14: {  	s14 =	simm.s32 $0x0;
	[sflag:s7] =	ssyncadd.s32 $0xFFFFFF80  }
.LBB2_2:
0x15: {  	p0 =	sne.s32 s14, $0x1FC0  }
.Ltmp0:
0x16: {  	_ = 	snop;
	(pc) =	sbr.rel @p0 .LBB2_2-.Ltmp0, $3  }
0x17: {  	_ =	sdelay $0x1  }
0x18: {  	s15 =	sshra.s32 s14, $0x2  }
0x19: {  	s14 =	sadd.s32 $0x40, s14;
	[tilespmem:s15+$0x8080] =	vst v0  }
0x1a: {  	s14 =	simm.s32 $0x40;
	s15 =	simm.s32 $0x0  }
.LBB2_4:
0x1b: {  	p0 =	sne.s32 s14, $0x1FC0;
	[tilespmem:s15+$0x8880] =	vst v0;
	s15 =	smov.u32 s14;
	s14 =	sadd.s32 $0x40, s14  }
.Ltmp1:
0x1c: {  	(pc) =	sbr.rel @p0 .LBB2_4-.Ltmp1, $2  }
0x1d: {  	_ =	sdelay $0x2  }
0x1e: {  	s15 =	sshra.s32 s15, $0x2  }
0x1f: {  	[tilespmem:s15+$0x8880] =	vst v0;
	s14 =	simm.s32 $0x0  }
0x20: {  	v3 =	vld [tilespmem:s14+$0x0];
	_ =	sdelay $0x3  }
0x21: {  	v2 =	vld [tilespmem:$0x8000]  }
0x22: {  	s16 =	simm.s32 $0x20;
	v4 =	vshra.s32 v3, $0x1F  }
0x23: {  	v5 =	vld [tilespmem:s16+$0x0];
	v4 =	vor.u32 $0x80000000, v4  }
0x24: {  	v3 =	vxor.u32 v3, v4  }
0x25: {  	v4 =	vshrl.u32 v3, $0x15  }
0x26: {  	v3 =	vshrl.u32 v3, $0xA;
	vm0 =	veq.s32 v4, v2  }
0x27: {  	v3 =	vand.u32 $0x7FF, v3  }
0x28: {  	s18 =	simm.s32 $0x40;
	v4 =	vshra.s32 v5, $0x1F  }
0x29: {  	v6 =	vld [tilespmem:s18+$0x0];
	v4 =	vor.u32 $0x80000000, v4  }
0x2a: {  	v4 =	vxor.u32 v5, v4  }
0x2b: {  	v5 =	vshrl.u32 v4, $0x15  }
0x2c: {  	v4 =	vshrl.u32 v4, $0xA;
	vm1 =	veq.s32 v5, v2;
	[tilespmem:v3+s9+$0x0] =	vst.idx.add.s32.msk vm0, v1  }
0x2d: {  	v3 =	vand.u32 $0x7FF, v4;
	v4 =	vld [tilespmem:s14+$0x10]  }
0x2e: {  	s15 =	simm.s32 $0x60;
	v5 =	vshra.s32 v6, $0x1F  }
0x2f: {  	v7 =	vld [tilespmem:s15+$0x0];
	v5 =	vor.u32 $0x80000000, v5  }
0x30: {  	v5 =	vxor.u32 v6, v5  }
0x31: {  	v6 =	vshrl.u32 v5, $0x15  }
0x32: {  	v5 =	vshrl.u32 v5, $0xA;
	vm2 =	veq.s32 v6, v2;
	[tilespmem:v3+s9+$0x0] =	vst.idx.add.s32.msk vm1, v1;
	v3 =	vshra.s32 v4, $0x1F  }
0x33: {  	v8 =	vand.u32 $0x7FF, v5;
	v5 =	vld [tilespmem:s16+$0x10];
	v3 =	vor.u32 $0x80000000, v3  }
0x34: {  	v6 =	vshra.s32 v7, $0x1F;
	s16 =	simm.s32 $0x80;
	v3 =	vxor.u32 v4, v3  }
0x35: {  	v4 =	vor.u32 $0x80000000, v6;
	v6 =	vld [tilespmem:s16+$0x0];
	v9 =	vshrl.u32 v3, $0x15  }
0x36: {  	v4 =	vxor.u32 v7, v4;
	v3 =	vshrl.u32 v3, $0xA;
	vm0 =	veq.s32 v9, v2  }
0x37: {  	v7 =	vshrl.u32 v4, $0x15;
	v3 =	vand.u32 $0x7FF, v3  }
0x38: {  	[tilespmem:v8+s9+$0x0] =	vst.idx.add.s32.msk vm2, v1;
	v4 =	vshrl.u32 v4, $0xA;
	v8 =	vshra.s32 v5, $0x1F;
	vm1 =	veq.s32 v7, v2  }
0x39: {  	s17 =	simm.s32 $0x280;
	v7 =	vand.u32 $0x7FF, v4;
	v4 =	vld [tilespmem:s18+$0x10];
	v8 =	vor.u32 $0x80000000, v8  }
.LBB2_6:
0x3a: {  	s18 =	sshra.s32 s17, $0x2;
	p0 =	sne.s32 s17, $0x1FF80;
	s17 =	sadd.s32 $0x80, s17;
	v9 =	vshra.s32 v6, $0x1F;
	v5 =	vxor.u32 v5, v8;
	v8 =	vmov v6  }
.Ltmp2:
0x3b: {  	v6 =	vld [tilespmem:s18+$0x0];
	v9 =	vor.u32 $0x80000000, v9;
	v10 =	vshrl.u32 v5, $0x15;
	(pc) =	sbr.rel @p0 .LBB2_6-.Ltmp2, $4  }
0x3c: {  	v11 =	vshrl.u32 v5, $0xA;
	v8 =	vxor.u32 v8, v9;
	[tilespmem:v3+s10+$0x0] =	vst.idx.add.s32.msk vm0, v1;
	vm0 =	veq.s32 v10, v2  }
0x3d: {  	v3 =	vand.u32 $0x7FF, v11;
	v9 =	vshrl.u32 v8, $0x15  }
0x3e: {  	v8 =	vshrl.u32 v8, $0xA;
	[tilespmem:v7+s9+$0x0] =	vst.idx.add.s32.msk vm1, v1;
	vm1 =	veq.s32 v9, v2;
	v9 =	vshra.s32 v4, $0x1F;
	v5 =	vmovc v4  }
0x3f: {  	v7 =	vand.u32 $0x7FF, v8;
	v4 =	vld [tilespmem:s15+$0x10];
	v8 =	vor.u32 $0x80000000, v9;
	s15 =	smov.u32 s16;
	s16 =	smov.u32 s18  }
0x40: {  	v9 =	vshra.s32 v6, $0x1F  }
0x41: {  	v9 =	vor.u32 $0x80000000, v9  }
0x42: {  	v56 =	vxor.u32 v6, v9  }
0x43: {  	v9 =	vshrl.u32 v56, $0x15  }
0x44: {  	v6 =	vshrl.u32 v56, $0xA;
	vm2 =	veq.s32 v9, v2  }
0x45: {  	v6 =	vand.u32 $0x7FF, v6;
	_ =	sdelay $0x2  }
0x46: {  	[tilespmem:v7+s9+$0x0] =	vst.idx.add.s32.msk vm1, v1  }
0x47: {  	v7 =	vld [tilespmem:s15+$0x10]  }
0x48: {  	[tilespmem:v6+s9+$0x0] =	vst.idx.add.s32.msk vm2, v1  }
0x49: {  	v6 =	vld [tilespmem:s16+$0x10]  }
0x4a: {  	v5 =	vxor.u32 v5, v8;
	v57 =	vshra.s32 v4, $0x1F  }
0x4b: {  	v58 =	vshrl.u32 v5, $0x15;
	v8 =	vor.u32 $0x80000000, v57  }
0x4c: {  	v5 =	vshrl.u32 v5, $0xA;
	vm14 =	veq.s32 v58, v2;
	v4 =	vxor.u32 v4, v8  }
0x4d: {  	v5 =	vand.u32 $0x7FF, v5;
	v59 =	vshra.s32 v7, $0x1F;
	v8 =	vshrl.u32 v4, $0x15  }
0x4e: {  	v60 =	vor.u32 $0x80000000, v59;
	v4 =	vshrl.u32 v4, $0xA;
	v61 =	vshra.s32 v6, $0x1F  }
0x4f: {  	vm15 =	veq.s32 v8, v2;
	v7 =	vxor.u32 v7, v60;
	v62 =	vor.u32 $0x80000000, v61  }
0x50: {  	v4 =	vand.u32 $0x7FF, v4;
	v63 =	vshrl.u32 v7, $0x15;
	v6 =	vxor.u32 v6, v62  }
0x51: {  	v7 =	vshrl.u32 v7, $0xA;
	vm3 =	veq.s32 v63, v2;
	v8 =	vshrl.u32 v6, $0x15  }
0x52: {  	v6 =	vshrl.u32 v6, $0xA;
	vm4 =	veq.s32 v8, v2;
	v2 =	vand.u32 $0x7FF, v7  }
0x53: {  	v6 =	vand.u32 $0x7FF, v6  }
0x54: {  	[tilespmem:v3+s10+$0x0] =	vst.idx.add.s32.msk vm0, v1  }
0x55: {  	[tilespmem:v5+s10+$0x0] =	vst.idx.add.s32.msk vm14, v1  }
0x56: {  	[tilespmem:v4+s10+$0x0] =	vst.idx.add.s32.msk vm15, v1  }
0x57: {  	[tilespmem:v2+s10+$0x0] =	vst.idx.add.s32.msk vm3, v1  }
0x58: {  	[tilespmem:v6+s10+$0x0] =	vst.idx.add.s32.msk vm4, v1  }
0x59: {  	v2 =	vld [tilespmem:s14+$0x8080]  }
0x5a: {  	s15 =	simm.s32 $0x40;
	v3 =	vld [tilespmem:s14+$0x8880]  }
.LBB2_8:
0x5b: {  	p0 =	sne.s32 s15, $0x1FC0  }
.Ltmp3:
0x5c: {  	_ = 	snop;
	(pc) =	sbr.rel @p0 .LBB2_8-.Ltmp3, $4  }
0x5d: {  	_ = 	snop  }
0x5e: {  	s16 =	sshra.s32 s15, $0x2  }
0x5f: {  	s15 =	sadd.s32 $0x40, s15;
	v4 =	vadd.s32 v2, v3;
	v2 =	vld [tilespmem:s16+$0x8080]  }
0x60: {  	v3 =	vld [tilespmem:s16+$0x8880];
	[tilespmem:s14+$0x8080] =	vst v4;
	s14 =	smov.u32 s16  }
0x61: {  	_ =	sdelay $0x2  }
0x62: {  	s13 =	sadd.s32 $0x1, s13  }
0x63: {  	p0 =	sne.s32 s13, s6;
	v2 =	vadd.s32 v2, v3  }
.Ltmp4:
0x64: {  	[tilespmem:s14+$0x8080] =	vst v2;
	(pc) =	sbr.rel @p0 .LBB2_1-.Ltmp4, $4  }
0x65: {  	[hbm4b:s5+s11] =	stream.strided.scatter [tilespmem:s9], [sflag:$0x1], $0x800, s12, s11, $0x38;
	[tilespmem:$0x9080] =	vst v63  }
0x66: {  	_ =	swait.ge [sflag:s7], $0x800  }
0x67: {  	[sflag:s7] =	ssyncset.done $0x0  }
0x68: {  	[sflag:s7] =	ssyncadd.s32 $0xFFFFF800  }
0x69: {  	_ =	sfence.sel $0x180000  }
0x6a: {  	[bflag:$0x0] =	sbarrier.arrive $0xFFFF  }
0x6b: {  	p0 =	sne.s32 s1, $0x0;
	_ =	strace $0x9000004A  }
0x6c: {  	s0 =	sadd.s32 @!p0 $0x100000, s0;
	[bflag:$0x2] =	sbarrier.arrive $0xFFFF  }
0x6d: {  	[sflag:s0] =	ssyncadd.tile.s32 @!p0 $0x1;
	_ =	shalt  }
.Lfunc_end2:
_tile_overlayer_lowered:
.L_overlay_start_2:
0x6e: {  	(tag) =	ssettag $0x2  }
0x6f: {  	s0 =	rddreg [dreg:$0x0];
	s2 =	stileid.u32  }
0x70: {  	s1 =	rddreg [dreg:$0x1];
	p0 =	sne.s32 s2, $0x0  }
0x71: {  	s3 =	rddreg [dreg:$0x2];
	[bflag:$0x3] =	sbarrier.arrive $0xFFFF;
	s2 =	simm.s32 @!p0 $0x1C01  }
0x72: {  	[timem:s3], [sflag:s2] =	dma.local @!p0 [hbm:s0], s1  }
0x73: {  	s0 =	simm.s32 @!p0 $0x1  }
0x74: {  	_ =	swait.ge @!p0 [sflag:s0], s1  }
0x75: {  	s1 =	ssub.s32 @!p0 $0x0, s1;
	[sflag:s0] =	ssyncset.done @!p0 $0x0  }
0x76: {  	[sflag:s0] =	ssyncadd.s32 @!p0 s1  }
0x77: {  	[bflag:$0x3] =	sbarrier.arrive $0xFFFF  }
0x78: {  	_ =	shalt  }

</sc_bundles>
